<compile_context>
chip_gen: v7x
topology: tpu7x:2x2x1
jax: 0.10.2.dev20260603
libtpu: 0.0.44.dev20260713+nightly
codegen_flags: <defaults>
</compile_context>

<pallas_src>
import jax
import jax.numpy as jnp
from jax import lax
from jax.experimental import pallas as pl
from jax.experimental.pallas import tpu as pltpu
from jax.experimental.pallas import tpu_sc as plsc

NC, NS = 2, 16
NW = NC * NS
CHUNK = 128
TBLK = 2048


def _eye(n):
    return (lax.broadcasted_iota(jnp.int32, (n, n), 0) ==
            lax.broadcasted_iota(jnp.int32, (n, n), 1)).astype(jnp.float32)


def _table_body(t1_ref, t2_ref, out_ref):
    xx = jnp.concatenate([t1_ref[...], t2_ref[...]], axis=0)
    out_ref[...] = lax.dot_general(
        xx, _eye(128), (((0,), (0,)), ((), ())),
        preferred_element_type=jnp.float32)


def _transpose_table(tableT):
    D, V = tableT.shape
    grid = (V + TBLK - 1) // TBLK
    h = TBLK // 2
    return pl.pallas_call(
        _table_body,
        grid=(grid,),
        in_specs=[pl.BlockSpec((D, h), lambda i: (0, 2 * i)),
                  pl.BlockSpec(
                      (D, h),
                      lambda i: (0, jnp.minimum(2 * i + 1, (V - 1) // h))),
                  ],
        out_specs=pl.BlockSpec((h, 128), lambda i: (i, 0)),
        out_shape=jax.ShapeDtypeStruct((grid * h, 128), jnp.float32),
    )(tableT, tableT)


def _out_body(g_ref, out_ref):
    g = g_ref[...].reshape(128, 100, 128)
    out3 = lax.dot_general(g, _eye(128), (((0,), (0,)), ((), ())),
                           preferred_element_type=jnp.float32)
    out_ref[...] = out3.reshape(200, 8, 1, 8, 128)


def _transpose_out(g):
    return pl.pallas_call(
        _out_body,
        grid=(32,),
        in_specs=[pl.BlockSpec((12800, 128), lambda tc: (tc, 0))],
        out_specs=pl.BlockSpec((200, 8, 1, 8, 128),
                               lambda tc: (0, 0, tc, 0, 0)),
        out_shape=jax.ShapeDtypeStruct((200, 8, 32, 8, 128), jnp.float32),
        compiler_params=pltpu.CompilerParams(
            vmem_limit_bytes=100 * 1024 * 1024),
    )(g)


def kernel(x, table):
    B, H = x.shape
    V, D = table.shape
    N = B * H
    n_chunks = N // CHUNK
    per_w = n_chunks // NW
    assert n_chunks * CHUNK == N and per_w * NW == n_chunks

    table_p = _transpose_table(jnp.transpose(table, (1, 0)))
    V2 = table_p.shape[0] * 2
    table_rm = table_p.reshape(V2, D)

    xi = x.reshape(n_chunks, CHUNK).astype(jnp.int32)
    hm = TBLK // 2 - 1
    sh = (TBLK // 2).bit_length() - 1
    xf = ((xi & ~jnp.int32(TBLK - 1)) + ((xi & hm) << 1) + ((xi >> sh) & 1))
    mesh = plsc.VectorSubcoreMesh(
        core_axis_name="c", subcore_axis_name="s",
        num_cores=NC, num_subcores=NS,
    )

    NBUF = 8
    KMAX = per_w // NBUF
    assert KMAX * NBUF == per_w

    def body(idx_hbm, table_hbm, out_hbm, idx_v, rows_v, *sems):
        gsem, wsem = sems[:NBUF], sems[NBUF:]
        wid = lax.axis_index("s") * NC + lax.axis_index("c")
        cbase = wid * per_w
        pltpu.sync_copy(idx_hbm.at[pl.ds(cbase, per_w)], idx_v)

        for b in range(NBUF):
            pltpu.async_copy(
                table_hbm.at[idx_v.at[b]], rows_v.at[b], gsem[b])

        def step(k, carry):
            for b in range(NBUF):
                j = k * NBUF + b
                pltpu.make_async_copy(
                    table_hbm.at[idx_v.at[0]], rows_v.at[b], gsem[b]).wait()
                pltpu.async_copy(
                    rows_v.at[b],
                    out_hbm.at[pl.ds((cbase + j) * CHUNK, CHUNK)], wsem[b])
            for b in range(NBUF):
                pltpu.make_async_copy(
                    rows_v.at[b], out_hbm.at[pl.ds(0, CHUNK)], wsem[b]).wait()

                @pl.when(k < KMAX - 1)
                def _():
                    pltpu.async_copy(
                        table_hbm.at[idx_v.at[(k + 1) * NBUF + b]],
                        rows_v.at[b], gsem[b])
            return carry

        lax.fori_loop(0, KMAX, step, 0)

    g = pl.kernel(
        body,
        out_type=jax.ShapeDtypeStruct((N, D), jnp.float32),
        mesh=mesh,
        compiler_params=pltpu.CompilerParams(use_tc_tiling_on_sc=False),
        scratch_types=[
            pltpu.VMEM((per_w, CHUNK), jnp.int32),
            pltpu.VMEM((NBUF, CHUNK, D), jnp.float32),
        ] + [pltpu.SemaphoreType.DMA] * (2 * NBUF),
    )(xf, table_rm)

    out4 = _transpose_out(g.reshape(N * D // 128, 128))
    return out4.transpose(2, 4, 0, 1, 3).reshape(B, H, D)

# --- scband reference (transcript-rebuilt; emitter-appended) ---
"""Pipeline reference for scband-category-value-encoder-74071005987082 (READ-ONLY COPY).

The authoritative reference and input builder live on the scoring server;
editing this copy changes nothing except your own understanding.
"""

import jax, jax.numpy as jnp
import numpy as np

NUM_EMBEDDINGS = 1000000
EMBEDDING_DIM = 64
BATCH = 4096
HIST = 200

def setup_inputs(seed: int = 0) -> dict:
    key = jax.random.key(seed)
    k_idx, k_tab = jax.random.split(key)
    x = jax.random.randint(k_idx, (BATCH, HIST), 0, NUM_EMBEDDINGS, dtype=jnp.int64 if jax.config.jax_enable_x64 else jnp.int32)
    table = jax.random.normal(k_tab, (NUM_EMBEDDINGS, EMBEDDING_DIM), dtype=jnp.float32)
    return {"x": x, "table": table}

def reference(x, table):
    # CategoryValueEncoder.forward with mask=None: embedding lookup
    out = jnp.take(table, x.astype(jnp.int32), axis=0)
    return out

if __name__ == "__main__":
    import jax
    _d = setup_inputs()
    print(jax.jit(kernel)(*tuple(_d.values())))

</pallas_src>

<mosaic_0001>
#map = affine_map<(d0, d1) -> (0, 0)>
module attributes {stable_mosaic.version = 14 : i64} {
  func.func @body(%arg0: i32, %arg1: i32, %arg2: memref<6400x128xi32, #tpu.memory_space<hbm>>, %arg3: memref<1001472x64xf32, #tpu.memory_space<hbm>>, %arg4: memref<819200x64xf32, #tpu.memory_space<hbm>>, %arg5: memref<200x128xi32, #tpu.memory_space<vmem>>, %arg6: memref<8x128x64xf32, #tpu.memory_space<vmem>>, %arg7: memref<!tpu.dma_semaphore, #tpu.memory_space<semaphore_mem>>, %arg8: memref<!tpu.dma_semaphore, #tpu.memory_space<semaphore_mem>>, %arg9: memref<!tpu.dma_semaphore, #tpu.memory_space<semaphore_mem>>, %arg10: memref<!tpu.dma_semaphore, #tpu.memory_space<semaphore_mem>>, %arg11: memref<!tpu.dma_semaphore, #tpu.memory_space<semaphore_mem>>, %arg12: memref<!tpu.dma_semaphore, #tpu.memory_space<semaphore_mem>>, %arg13: memref<!tpu.dma_semaphore, #tpu.memory_space<semaphore_mem>>, %arg14: memref<!tpu.dma_semaphore, #tpu.memory_space<semaphore_mem>>, %arg15: memref<!tpu.dma_semaphore, #tpu.memory_space<semaphore_mem>>, %arg16: memref<!tpu.dma_semaphore, #tpu.memory_space<semaphore_mem>>, %arg17: memref<!tpu.dma_semaphore, #tpu.memory_space<semaphore_mem>>, %arg18: memref<!tpu.dma_semaphore, #tpu.memory_space<semaphore_mem>>, %arg19: memref<!tpu.dma_semaphore, #tpu.memory_space<semaphore_mem>>, %arg20: memref<!tpu.dma_semaphore, #tpu.memory_space<semaphore_mem>>, %arg21: memref<!tpu.dma_semaphore, #tpu.memory_space<semaphore_mem>>, %arg22: memref<!tpu.dma_semaphore, #tpu.memory_space<semaphore_mem>>) attributes {dimension_semantics = [#tpu.dimension_semantics<core_parallel>, #tpu.dimension_semantics<subcore_parallel>], iteration_bounds = array<i64: 2, 16>, scalar_prefetch = 0 : i64, scratch_operands = 18 : i64, tpu.core_type = #tpu.core_type<sc_vector_subcore>, window_params = [{transform_indices = #map}, {transform_indices = #map}, {transform_indices = #map}]} {
    %mul3A = arith.constant 2 : i32
    %mul3A_0 = arith.muli %arg1, %mul3A : i32
    %add3A = arith.addi %mul3A_0, %arg0 : i32
    %mul3A_1 = arith.constant 200 : i32
    %mul3A_2 = arith.muli %add3A, %mul3A_1 : i32
    "tpu.region"() ({
      %run_scoped3A = tpu.sem_alloc : memref<!tpu.dma_semaphore, #tpu.memory_space<semaphore_mem>>
      %dma_start3A_103 = arith.constant 0 : i32
      %dma_start3A_104 = tpu.memref_slice %arg2[%mul3A_2, %dma_start3A_103] : memref<6400x128xi32, #tpu.memory_space<hbm>> -> memref<200x128xi32, #tpu.memory_space<hbm>>
      %dma_start3A_105 = arith.constant 0 : i32
      %dma_start3A_106 = tpu.memref_slice %arg2[%mul3A_2, %dma_start3A_105] : memref<6400x128xi32, #tpu.memory_space<hbm>> -> memref<200x128xi32, #tpu.memory_space<hbm>>
      tpu.enqueue_dma source(%dma_start3A_106 : memref<200x128xi32, #tpu.memory_space<hbm>>) target(%arg5 : memref<200x128xi32, #tpu.memory_space<vmem>>) target_semaphore(%run_scoped3A : memref<!tpu.dma_semaphore, #tpu.memory_space<semaphore_mem>>)
      %dma_wait3A = arith.constant 0 : i32
      %dma_wait3A_107 = tpu.memref_slice %arg2[%mul3A_2, %dma_wait3A] : memref<6400x128xi32, #tpu.memory_space<hbm>> -> memref<200x128xi32, #tpu.memory_space<hbm>>
      %dma_wait3A_108 = arith.constant 0 : i32
      %dma_wait3A_109 = tpu.memref_slice %arg2[%mul3A_2, %dma_wait3A_108] : memref<6400x128xi32, #tpu.memory_space<hbm>> -> memref<200x128xi32, #tpu.memory_space<hbm>>
      tpu.wait_dma2 semaphore(%run_scoped3A : memref<!tpu.dma_semaphore, #tpu.memory_space<semaphore_mem>>) src(%dma_wait3A_109 : memref<200x128xi32, #tpu.memory_space<hbm>>) dst(%arg5 : memref<200x128xi32, #tpu.memory_space<vmem>>)
      tpu.yield
    }) : () -> ()
    %dma_start3A = arith.constant 0 : i32
    %dma_start3A_3 = arith.constant 0 : i32
    %dma_start3A_4 = arith.constant 0 : i32
    %dma_start3A_5 = arith.constant 0 : i32
    %dma_start3A_6 = tpu.memref_slice %arg6[%dma_start3A_3, %dma_start3A_4, %dma_start3A_5] : memref<8x128x64xf32, #tpu.memory_space<vmem>> -> memref<1x128x64xf32, #tpu.memory_space<vmem>>
    %dma_start3A_7 = tpu.memref_squeeze %dma_start3A_6 : memref<1x128x64xf32, #tpu.memory_space<vmem>> -> memref<128x64xf32, #tpu.memory_space<vmem>>
    %dma_start3A_8 = arith.constant 0 : i32
    %dma_start3A_9 = tpu.memref_slice %arg5[%dma_start3A, %dma_start3A_8] : memref<200x128xi32, #tpu.memory_space<vmem>> -> memref<1x128xi32, #tpu.memory_space<vmem>>
    %dma_start3A_10 = tpu.memref_squeeze %dma_start3A_9 : memref<1x128xi32, #tpu.memory_space<vmem>> -> memref<128xi32, #tpu.memory_space<vmem>>
    %dma_start3A_11 = arith.constant 0 : i32
    %dma_start3A_12 = arith.constant 0 : i32
    %dma_start3A_13 = tpu.memref_slice %arg3[%dma_start3A_11, %dma_start3A_12] : memref<1001472x64xf32, #tpu.memory_space<hbm>> -> memref<1001472x64xf32, #tpu.memory_space<hbm>>
    tpu.enqueue_indirect_dma source(%dma_start3A_13 : memref<1001472x64xf32, #tpu.memory_space<hbm>>) target(%dma_start3A_7 : memref<128x64xf32, #tpu.memory_space<vmem>>) offsets(%dma_start3A_10 : memref<128xi32, #tpu.memory_space<vmem>>) semaphore(%arg7 : memref<!tpu.dma_semaphore, #tpu.memory_space<semaphore_mem>>)
    %dma_start3A_14 = arith.constant 1 : i32
    %dma_start3A_15 = arith.constant 1 : i32
    %dma_start3A_16 = arith.constant 0 : i32
    %dma_start3A_17 = arith.constant 0 : i32
    %dma_start3A_18 = tpu.memref_slice %arg6[%dma_start3A_15, %dma_start3A_16, %dma_start3A_17] : memref<8x128x64xf32, #tpu.memory_space<vmem>> -> memref<1x128x64xf32, #tpu.memory_space<vmem>>
    %dma_start3A_19 = tpu.memref_squeeze %dma_start3A_18 : memref<1x128x64xf32, #tpu.memory_space<vmem>> -> memref<128x64xf32, #tpu.memory_space<vmem>>
    %dma_start3A_20 = arith.constant 0 : i32
    %dma_start3A_21 = tpu.memref_slice %arg5[%dma_start3A_14, %dma_start3A_20] : memref<200x128xi32, #tpu.memory_space<vmem>> -> memref<1x128xi32, #tpu.memory_space<vmem>>
    %dma_start3A_22 = tpu.memref_squeeze %dma_start3A_21 : memref<1x128xi32, #tpu.memory_space<vmem>> -> memref<128xi32, #tpu.memory_space<vmem>>
    %dma_start3A_23 = arith.constant 0 : i32
    %dma_start3A_24 = arith.constant 0 : i32
    %dma_start3A_25 = tpu.memref_slice %arg3[%dma_start3A_23, %dma_start3A_24] : memref<1001472x64xf32, #tpu.memory_space<hbm>> -> memref<1001472x64xf32, #tpu.memory_space<hbm>>
    tpu.enqueue_indirect_dma source(%dma_start3A_25 : memref<1001472x64xf32, #tpu.memory_space<hbm>>) target(%dma_start3A_19 : memref<128x64xf32, #tpu.memory_space<vmem>>) offsets(%dma_start3A_22 : memref<128xi32, #tpu.memory_space<vmem>>) semaphore(%arg8 : memref<!tpu.dma_semaphore, #tpu.memory_space<semaphore_mem>>)
    %dma_start3A_26 = arith.constant 2 : i32
    %dma_start3A_27 = arith.constant 2 : i32
    %dma_start3A_28 = arith.constant 0 : i32
    %dma_start3A_29 = arith.constant 0 : i32
    %dma_start3A_30 = tpu.memref_slice %arg6[%dma_start3A_27, %dma_start3A_28, %dma_start3A_29] : memref<8x128x64xf32, #tpu.memory_space<vmem>> -> memref<1x128x64xf32, #tpu.memory_space<vmem>>
    %dma_start3A_31 = tpu.memref_squeeze %dma_start3A_30 : memref<1x128x64xf32, #tpu.memory_space<vmem>> -> memref<128x64xf32, #tpu.memory_space<vmem>>
    %dma_start3A_32 = arith.constant 0 : i32
    %dma_start3A_33 = tpu.memref_slice %arg5[%dma_start3A_26, %dma_start3A_32] : memref<200x128xi32, #tpu.memory_space<vmem>> -> memref<1x128xi32, #tpu.memory_space<vmem>>
    %dma_start3A_34 = tpu.memref_squeeze %dma_start3A_33 : memref<1x128xi32, #tpu.memory_space<vmem>> -> memref<128xi32, #tpu.memory_space<vmem>>
    %dma_start3A_35 = arith.constant 0 : i32
    %dma_start3A_36 = arith.constant 0 : i32
    %dma_start3A_37 = tpu.memref_slice %arg3[%dma_start3A_35, %dma_start3A_36] : memref<1001472x64xf32, #tpu.memory_space<hbm>> -> memref<1001472x64xf32, #tpu.memory_space<hbm>>
    tpu.enqueue_indirect_dma source(%dma_start3A_37 : memref<1001472x64xf32, #tpu.memory_space<hbm>>) target(%dma_start3A_31 : memref<128x64xf32, #tpu.memory_space<vmem>>) offsets(%dma_start3A_34 : memref<128xi32, #tpu.memory_space<vmem>>) semaphore(%arg9 : memref<!tpu.dma_semaphore, #tpu.memory_space<semaphore_mem>>)
    %dma_start3A_38 = arith.constant 3 : i32
    %dma_start3A_39 = arith.constant 3 : i32
    %dma_start3A_40 = arith.constant 0 : i32
    %dma_start3A_41 = arith.constant 0 : i32
    %dma_start3A_42 = tpu.memref_slice %arg6[%dma_start3A_39, %dma_start3A_40, %dma_start3A_41] : memref<8x128x64xf32, #tpu.memory_space<vmem>> -> memref<1x128x64xf32, #tpu.memory_space<vmem>>
    %dma_start3A_43 = tpu.memref_squeeze %dma_start3A_42 : memref<1x128x64xf32, #tpu.memory_space<vmem>> -> memref<128x64xf32, #tpu.memory_space<vmem>>
    %dma_start3A_44 = arith.constant 0 : i32
    %dma_start3A_45 = tpu.memref_slice %arg5[%dma_start3A_38, %dma_start3A_44] : memref<200x128xi32, #tpu.memory_space<vmem>> -> memref<1x128xi32, #tpu.memory_space<vmem>>
    %dma_start3A_46 = tpu.memref_squeeze %dma_start3A_45 : memref<1x128xi32, #tpu.memory_space<vmem>> -> memref<128xi32, #tpu.memory_space<vmem>>
    %dma_start3A_47 = arith.constant 0 : i32
    %dma_start3A_48 = arith.constant 0 : i32
    %dma_start3A_49 = tpu.memref_slice %arg3[%dma_start3A_47, %dma_start3A_48] : memref<1001472x64xf32, #tpu.memory_space<hbm>> -> memref<1001472x64xf32, #tpu.memory_space<hbm>>
    tpu.enqueue_indirect_dma source(%dma_start3A_49 : memref<1001472x64xf32, #tpu.memory_space<hbm>>) target(%dma_start3A_43 : memref<128x64xf32, #tpu.memory_space<vmem>>) offsets(%dma_start3A_46 : memref<128xi32, #tpu.memory_space<vmem>>) semaphore(%arg10 : memref<!tpu.dma_semaphore, #tpu.memory_space<semaphore_mem>>)
    %dma_start3A_50 = arith.constant 4 : i32
    %dma_start3A_51 = arith.constant 4 : i32
    %dma_start3A_52 = arith.constant 0 : i32
    %dma_start3A_53 = arith.constant 0 : i32
    %dma_start3A_54 = tpu.memref_slice %arg6[%dma_start3A_51, %dma_start3A_52, %dma_start3A_53] : memref<8x128x64xf32, #tpu.memory_space<vmem>> -> memref<1x128x64xf32, #tpu.memory_space<vmem>>
    %dma_start3A_55 = tpu.memref_squeeze %dma_start3A_54 : memref<1x128x64xf32, #tpu.memory_space<vmem>> -> memref<128x64xf32, #tpu.memory_space<vmem>>
    %dma_start3A_56 = arith.constant 0 : i32
    %dma_start3A_57 = tpu.memref_slice %arg5[%dma_start3A_50, %dma_start3A_56] : memref<200x128xi32, #tpu.memory_space<vmem>> -> memref<1x128xi32, #tpu.memory_space<vmem>>
    %dma_start3A_58 = tpu.memref_squeeze %dma_start3A_57 : memref<1x128xi32, #tpu.memory_space<vmem>> -> memref<128xi32, #tpu.memory_space<vmem>>
    %dma_start3A_59 = arith.constant 0 : i32
    %dma_start3A_60 = arith.constant 0 : i32
    %dma_start3A_61 = tpu.memref_slice %arg3[%dma_start3A_59, %dma_start3A_60] : memref<1001472x64xf32, #tpu.memory_space<hbm>> -> memref<1001472x64xf32, #tpu.memory_space<hbm>>
    tpu.enqueue_indirect_dma source(%dma_start3A_61 : memref<1001472x64xf32, #tpu.memory_space<hbm>>) target(%dma_start3A_55 : memref<128x64xf32, #tpu.memory_space<vmem>>) offsets(%dma_start3A_58 : memref<128xi32, #tpu.memory_space<vmem>>) semaphore(%arg11 : memref<!tpu.dma_semaphore, #tpu.memory_space<semaphore_mem>>)
    %dma_start3A_62 = arith.constant 5 : i32
    %dma_start3A_63 = arith.constant 5 : i32
    %dma_start3A_64 = arith.constant 0 : i32
    %dma_start3A_65 = arith.constant 0 : i32
    %dma_start3A_66 = tpu.memref_slice %arg6[%dma_start3A_63, %dma_start3A_64, %dma_start3A_65] : memref<8x128x64xf32, #tpu.memory_space<vmem>> -> memref<1x128x64xf32, #tpu.memory_space<vmem>>
    %dma_start3A_67 = tpu.memref_squeeze %dma_start3A_66 : memref<1x128x64xf32, #tpu.memory_space<vmem>> -> memref<128x64xf32, #tpu.memory_space<vmem>>
    %dma_start3A_68 = arith.constant 0 : i32
    %dma_start3A_69 = tpu.memref_slice %arg5[%dma_start3A_62, %dma_start3A_68] : memref<200x128xi32, #tpu.memory_space<vmem>> -> memref<1x128xi32, #tpu.memory_space<vmem>>
    %dma_start3A_70 = tpu.memref_squeeze %dma_start3A_69 : memref<1x128xi32, #tpu.memory_space<vmem>> -> memref<128xi32, #tpu.memory_space<vmem>>
    %dma_start3A_71 = arith.constant 0 : i32
    %dma_start3A_72 = arith.constant 0 : i32
    %dma_start3A_73 = tpu.memref_slice %arg3[%dma_start3A_71, %dma_start3A_72] : memref<1001472x64xf32, #tpu.memory_space<hbm>> -> memref<1001472x64xf32, #tpu.memory_space<hbm>>
    tpu.enqueue_indirect_dma source(%dma_start3A_73 : memref<1001472x64xf32, #tpu.memory_space<hbm>>) target(%dma_start3A_67 : memref<128x64xf32, #tpu.memory_space<vmem>>) offsets(%dma_start3A_70 : memref<128xi32, #tpu.memory_space<vmem>>) semaphore(%arg12 : memref<!tpu.dma_semaphore, #tpu.memory_space<semaphore_mem>>)
    %dma_start3A_74 = arith.constant 6 : i32
    %dma_start3A_75 = arith.constant 6 : i32
    %dma_start3A_76 = arith.constant 0 : i32
    %dma_start3A_77 = arith.constant 0 : i32
    %dma_start3A_78 = tpu.memref_slice %arg6[%dma_start3A_75, %dma_start3A_76, %dma_start3A_77] : memref<8x128x64xf32, #tpu.memory_space<vmem>> -> memref<1x128x64xf32, #tpu.memory_space<vmem>>
    %dma_start3A_79 = tpu.memref_squeeze %dma_start3A_78 : memref<1x128x64xf32, #tpu.memory_space<vmem>> -> memref<128x64xf32, #tpu.memory_space<vmem>>
    %dma_start3A_80 = arith.constant 0 : i32
    %dma_start3A_81 = tpu.memref_slice %arg5[%dma_start3A_74, %dma_start3A_80] : memref<200x128xi32, #tpu.memory_space<vmem>> -> memref<1x128xi32, #tpu.memory_space<vmem>>
    %dma_start3A_82 = tpu.memref_squeeze %dma_start3A_81 : memref<1x128xi32, #tpu.memory_space<vmem>> -> memref<128xi32, #tpu.memory_space<vmem>>
    %dma_start3A_83 = arith.constant 0 : i32
    %dma_start3A_84 = arith.constant 0 : i32
    %dma_start3A_85 = tpu.memref_slice %arg3[%dma_start3A_83, %dma_start3A_84] : memref<1001472x64xf32, #tpu.memory_space<hbm>> -> memref<1001472x64xf32, #tpu.memory_space<hbm>>
    tpu.enqueue_indirect_dma source(%dma_start3A_85 : memref<1001472x64xf32, #tpu.memory_space<hbm>>) target(%dma_start3A_79 : memref<128x64xf32, #tpu.memory_space<vmem>>) offsets(%dma_start3A_82 : memref<128xi32, #tpu.memory_space<vmem>>) semaphore(%arg13 : memref<!tpu.dma_semaphore, #tpu.memory_space<semaphore_mem>>)
    %dma_start3A_86 = arith.constant 7 : i32
    %dma_start3A_87 = arith.constant 7 : i32
    %dma_start3A_88 = arith.constant 0 : i32
    %dma_start3A_89 = arith.constant 0 : i32
    %dma_start3A_90 = tpu.memref_slice %arg6[%dma_start3A_87, %dma_start3A_88, %dma_start3A_89] : memref<8x128x64xf32, #tpu.memory_space<vmem>> -> memref<1x128x64xf32, #tpu.memory_space<vmem>>
    %dma_start3A_91 = tpu.memref_squeeze %dma_start3A_90 : memref<1x128x64xf32, #tpu.memory_space<vmem>> -> memref<128x64xf32, #tpu.memory_space<vmem>>
    %dma_start3A_92 = arith.constant 0 : i32
    %dma_start3A_93 = tpu.memref_slice %arg5[%dma_start3A_86, %dma_start3A_92] : memref<200x128xi32, #tpu.memory_space<vmem>> -> memref<1x128xi32, #tpu.memory_space<vmem>>
    %dma_start3A_94 = tpu.memref_squeeze %dma_start3A_93 : memref<1x128xi32, #tpu.memory_space<vmem>> -> memref<128xi32, #tpu.memory_space<vmem>>
    %dma_start3A_95 = arith.constant 0 : i32
    %dma_start3A_96 = arith.constant 0 : i32
    %dma_start3A_97 = tpu.memref_slice %arg3[%dma_start3A_95, %dma_start3A_96] : memref<1001472x64xf32, #tpu.memory_space<hbm>> -> memref<1001472x64xf32, #tpu.memory_space<hbm>>
    tpu.enqueue_indirect_dma source(%dma_start3A_97 : memref<1001472x64xf32, #tpu.memory_space<hbm>>) target(%dma_start3A_91 : memref<128x64xf32, #tpu.memory_space<vmem>>) offsets(%dma_start3A_94 : memref<128xi32, #tpu.memory_space<vmem>>) semaphore(%arg14 : memref<!tpu.dma_semaphore, #tpu.memory_space<semaphore_mem>>)
    %scan3A = arith.constant 0 : i32
    %scan3A_98 = arith.constant 0 : i32
    %scan3A_99 = arith.constant 25 : i32
    %scan3A_100 = arith.addi %scan3A_98, %scan3A_99 : i32
    %scan3A_101 = arith.constant 1 : i32
    scf.for %scan3A_103 = %scan3A_98 to %scan3A_100 step %scan3A_101  : i32 {
      %mul3A_104 = arith.constant 8 : i32
      %mul3A_105 = arith.muli %scan3A_103, %mul3A_104 : i32
      %add3A_106 = arith.constant 0 : i32
      %add3A_107 = arith.addi %mul3A_105, %add3A_106 : i32
      %dma_wait3A = arith.constant 0 : i32
      %dma_wait3A_108 = arith.constant 0 : i32
      %dma_wait3A_109 = arith.constant 0 : i32
      %dma_wait3A_110 = arith.constant 0 : i32
      %dma_wait3A_111 = tpu.memref_slice %arg6[%dma_wait3A_108, %dma_wait3A_109, %dma_wait3A_110] : memref<8x128x64xf32, #tpu.memory_space<vmem>> -> memref<1x128x64xf32, #tpu.memory_space<vmem>>
      %dma_wait3A_112 = tpu.memref_squeeze %dma_wait3A_111 : memref<1x128x64xf32, #tpu.memory_space<vmem>> -> memref<128x64xf32, #tpu.memory_space<vmem>>
      %dma_wait3A_113 = arith.constant 0 : i32
      %dma_wait3A_114 = tpu.memref_slice %arg5[%dma_wait3A, %dma_wait3A_113] : memref<200x128xi32, #tpu.memory_space<vmem>> -> memref<1x128xi32, #tpu.memory_space<vmem>>
      %dma_wait3A_115 = tpu.memref_squeeze %dma_wait3A_114 : memref<1x128xi32, #tpu.memory_space<vmem>> -> memref<128xi32, #tpu.memory_space<vmem>>
      %dma_wait3A_116 = arith.constant 0 : i32
      %dma_wait3A_117 = arith.constant 0 : i32
      %dma_wait3A_118 = tpu.memref_slice %arg3[%dma_wait3A_116, %dma_wait3A_117] : memref<1001472x64xf32, #tpu.memory_space<hbm>> -> memref<1001472x64xf32, #tpu.memory_space<hbm>>
      tpu.wait_indirect_dma semaphore(%arg7 : memref<!tpu.dma_semaphore, #tpu.memory_space<semaphore_mem>>) src(%dma_wait3A_118 : memref<1001472x64xf32, #tpu.memory_space<hbm>>) dst(%dma_wait3A_112 : memref<128x64xf32, #tpu.memory_space<vmem>>)
      %add3A_119 = arith.addi %mul3A_2, %add3A_107 : i32
      %mul3A_120 = arith.constant 128 : i32
      %mul3A_121 = arith.muli %add3A_119, %mul3A_120 : i32
      %dma_start3A_122 = arith.constant 0 : i32
      %dma_start3A_123 = arith.constant 0 : i32
      %dma_start3A_124 = arith.constant 0 : i32
      %dma_start3A_125 = tpu.memref_slice %arg6[%dma_start3A_122, %dma_start3A_123, %dma_start3A_124] : memref<8x128x64xf32, #tpu.memory_space<vmem>> -> memref<1x128x64xf32, #tpu.memory_space<vmem>>
      %dma_start3A_126 = tpu.memref_squeeze %dma_start3A_125 : memref<1x128x64xf32, #tpu.memory_space<vmem>> -> memref<128x64xf32, #tpu.memory_space<vmem>>
      %dma_start3A_127 = arith.constant 0 : i32
      %dma_start3A_128 = tpu.memref_slice %arg4[%mul3A_121, %dma_start3A_127] : memref<819200x64xf32, #tpu.memory_space<hbm>> -> memref<128x64xf32, #tpu.memory_space<hbm>>
      %dma_start3A_129 = arith.constant 0 : i32
      %dma_start3A_130 = tpu.memref_slice %arg4[%mul3A_121, %dma_start3A_129] : memref<819200x64xf32, #tpu.memory_space<hbm>> -> memref<128x64xf32, #tpu.memory_space<hbm>>
      %dma_start3A_131 = arith.constant 0 : i32
      %dma_start3A_132 = arith.constant 0 : i32
      %dma_start3A_133 = tpu.memref_slice %arg6[%dma_start3A_122, %dma_start3A_131, %dma_start3A_132] : memref<8x128x64xf32, #tpu.memory_space<vmem>> -> memref<1x128x64xf32, #tpu.memory_space<vmem>>
      %dma_start3A_134 = tpu.memref_squeeze %dma_start3A_133 : memref<1x128x64xf32, #tpu.memory_space<vmem>> -> memref<128x64xf32, #tpu.memory_space<vmem>>
      tpu.enqueue_dma source(%dma_start3A_134 : memref<128x64xf32, #tpu.memory_space<vmem>>) target(%dma_start3A_130 : memref<128x64xf32, #tpu.memory_space<hbm>>) target_semaphore(%arg15 : memref<!tpu.dma_semaphore, #tpu.memory_space<semaphore_mem>>)
      %mul3A_135 = arith.constant 8 : i32
      %mul3A_136 = arith.muli %scan3A_103, %mul3A_135 : i32
      %add3A_137 = arith.constant 1 : i32
      %add3A_138 = arith.addi %mul3A_136, %add3A_137 : i32
      %dma_wait3A_139 = arith.constant 0 : i32
      %dma_wait3A_140 = arith.constant 1 : i32
      %dma_wait3A_141 = arith.constant 0 : i32
      %dma_wait3A_142 = arith.constant 0 : i32
      %dma_wait3A_143 = tpu.memref_slice %arg6[%dma_wait3A_140, %dma_wait3A_141, %dma_wait3A_142] : memref<8x128x64xf32, #tpu.memory_space<vmem>> -> memref<1x128x64xf32, #tpu.memory_space<vmem>>
      %dma_wait3A_144 = tpu.memref_squeeze %dma_wait3A_143 : memref<1x128x64xf32, #tpu.memory_space<vmem>> -> memref<128x64xf32, #tpu.memory_space<vmem>>
      %dma_wait3A_145 = arith.constant 0 : i32
      %dma_wait3A_146 = tpu.memref_slice %arg5[%dma_wait3A_139, %dma_wait3A_145] : memref<200x128xi32, #tpu.memory_space<vmem>> -> memref<1x128xi32, #tpu.memory_space<vmem>>
      %dma_wait3A_147 = tpu.memref_squeeze %dma_wait3A_146 : memref<1x128xi32, #tpu.memory_space<vmem>> -> memref<128xi32, #tpu.memory_space<vmem>>
      %dma_wait3A_148 = arith.constant 0 : i32
      %dma_wait3A_149 = arith.constant 0 : i32
      %dma_wait3A_150 = tpu.memref_slice %arg3[%dma_wait3A_148, %dma_wait3A_149] : memref<1001472x64xf32, #tpu.memory_space<hbm>> -> memref<1001472x64xf32, #tpu.memory_space<hbm>>
      tpu.wait_indirect_dma semaphore(%arg8 : memref<!tpu.dma_semaphore, #tpu.memory_space<semaphore_mem>>) src(%dma_wait3A_150 : memref<1001472x64xf32, #tpu.memory_space<hbm>>) dst(%dma_wait3A_144 : memref<128x64xf32, #tpu.memory_space<vmem>>)
      %add3A_151 = arith.addi %mul3A_2, %add3A_138 : i32
      %mul3A_152 = arith.constant 128 : i32
      %mul3A_153 = arith.muli %add3A_151, %mul3A_152 : i32
      %dma_start3A_154 = arith.constant 1 : i32
      %dma_start3A_155 = arith.constant 0 : i32
      %dma_start3A_156 = arith.constant 0 : i32
      %dma_start3A_157 = tpu.memref_slice %arg6[%dma_start3A_154, %dma_start3A_155, %dma_start3A_156] : memref<8x128x64xf32, #tpu.memory_space<vmem>> -> memref<1x128x64xf32, #tpu.memory_space<vmem>>
      %dma_start3A_158 = tpu.memref_squeeze %dma_start3A_157 : memref<1x128x64xf32, #tpu.memory_space<vmem>> -> memref<128x64xf32, #tpu.memory_space<vmem>>
      %dma_start3A_159 = arith.constant 0 : i32
      %dma_start3A_160 = tpu.memref_slice %arg4[%mul3A_153, %dma_start3A_159] : memref<819200x64xf32, #tpu.memory_space<hbm>> -> memref<128x64xf32, #tpu.memory_space<hbm>>
      %dma_start3A_161 = arith.constant 0 : i32
      %dma_start3A_162 = tpu.memref_slice %arg4[%mul3A_153, %dma_start3A_161] : memref<819200x64xf32, #tpu.memory_space<hbm>> -> memref<128x64xf32, #tpu.memory_space<hbm>>
      %dma_start3A_163 = arith.constant 0 : i32
      %dma_start3A_164 = arith.constant 0 : i32
      %dma_start3A_165 = tpu.memref_slice %arg6[%dma_start3A_154, %dma_start3A_163, %dma_start3A_164] : memref<8x128x64xf32, #tpu.memory_space<vmem>> -> memref<1x128x64xf32, #tpu.memory_space<vmem>>
      %dma_start3A_166 = tpu.memref_squeeze %dma_start3A_165 : memref<1x128x64xf32, #tpu.memory_space<vmem>> -> memref<128x64xf32, #tpu.memory_space<vmem>>
      tpu.enqueue_dma source(%dma_start3A_166 : memref<128x64xf32, #tpu.memory_space<vmem>>) target(%dma_start3A_162 : memref<128x64xf32, #tpu.memory_space<hbm>>) target_semaphore(%arg16 : memref<!tpu.dma_semaphore, #tpu.memory_space<semaphore_mem>>)
      %mul3A_167 = arith.constant 8 : i32
      %mul3A_168 = arith.muli %scan3A_103, %mul3A_167 : i32
      %add3A_169 = arith.constant 2 : i32
      %add3A_170 = arith.addi %mul3A_168, %add3A_169 : i32
      %dma_wait3A_171 = arith.constant 0 : i32
      %dma_wait3A_172 = arith.constant 2 : i32
      %dma_wait3A_173 = arith.constant 0 : i32
      %dma_wait3A_174 = arith.constant 0 : i32
      %dma_wait3A_175 = tpu.memref_slice %arg6[%dma_wait3A_172, %dma_wait3A_173, %dma_wait3A_174] : memref<8x128x64xf32, #tpu.memory_space<vmem>> -> memref<1x128x64xf32, #tpu.memory_space<vmem>>
      %dma_wait3A_176 = tpu.memref_squeeze %dma_wait3A_175 : memref<1x128x64xf32, #tpu.memory_space<vmem>> -> memref<128x64xf32, #tpu.memory_space<vmem>>
      %dma_wait3A_177 = arith.constant 0 : i32
      %dma_wait3A_178 = tpu.memref_slice %arg5[%dma_wait3A_171, %dma_wait3A_177] : memref<200x128xi32, #tpu.memory_space<vmem>> -> memref<1x128xi32, #tpu.memory_space<vmem>>
      %dma_wait3A_179 = tpu.memref_squeeze %dma_wait3A_178 : memref<1x128xi32, #tpu.memory_space<vmem>> -> memref<128xi32, #tpu.memory_space<vmem>>
      %dma_wait3A_180 = arith.constant 0 : i32
      %dma_wait3A_181 = arith.constant 0 : i32
      %dma_wait3A_182 = tpu.memref_slice %arg3[%dma_wait3A_180, %dma_wait3A_181] : memref<1001472x64xf32, #tpu.memory_space<hbm>> -> memref<1001472x64xf32, #tpu.memory_space<hbm>>
      tpu.wait_indirect_dma semaphore(%arg9 : memref<!tpu.dma_semaphore, #tpu.memory_space<semaphore_mem>>) src(%dma_wait3A_182 : memref<1001472x64xf32, #tpu.memory_space<hbm>>) dst(%dma_wait3A_176 : memref<128x64xf32, #tpu.memory_space<vmem>>)
      %add3A_183 = arith.addi %mul3A_2, %add3A_170 : i32
      %mul3A_184 = arith.constant 128 : i32
      %mul3A_185 = arith.muli %add3A_183, %mul3A_184 : i32
      %dma_start3A_186 = arith.constant 2 : i32
      %dma_start3A_187 = arith.constant 0 : i32
      %dma_start3A_188 = arith.constant 0 : i32
      %dma_start3A_189 = tpu.memref_slice %arg6[%dma_start3A_186, %dma_start3A_187, %dma_start3A_188] : memref<8x128x64xf32, #tpu.memory_space<vmem>> -> memref<1x128x64xf32, #tpu.memory_space<vmem>>
      %dma_start3A_190 = tpu.memref_squeeze %dma_start3A_189 : memref<1x128x64xf32, #tpu.memory_space<vmem>> -> memref<128x64xf32, #tpu.memory_space<vmem>>
      %dma_start3A_191 = arith.constant 0 : i32
      %dma_start3A_192 = tpu.memref_slice %arg4[%mul3A_185, %dma_start3A_191] : memref<819200x64xf32, #tpu.memory_space<hbm>> -> memref<128x64xf32, #tpu.memory_space<hbm>>
      %dma_start3A_193 = arith.constant 0 : i32
      %dma_start3A_194 = tpu.memref_slice %arg4[%mul3A_185, %dma_start3A_193] : memref<819200x64xf32, #tpu.memory_space<hbm>> -> memref<128x64xf32, #tpu.memory_space<hbm>>
      %dma_start3A_195 = arith.constant 0 : i32
      %dma_start3A_196 = arith.constant 0 : i32
      %dma_start3A_197 = tpu.memref_slice %arg6[%dma_start3A_186, %dma_start3A_195, %dma_start3A_196] : memref<8x128x64xf32, #tpu.memory_space<vmem>> -> memref<1x128x64xf32, #tpu.memory_space<vmem>>
      %dma_start3A_198 = tpu.memref_squeeze %dma_start3A_197 : memref<1x128x64xf32, #tpu.memory_space<vmem>> -> memref<128x64xf32, #tpu.memory_space<vmem>>
      tpu.enqueue_dma source(%dma_start3A_198 : memref<128x64xf32, #tpu.memory_space<vmem>>) target(%dma_start3A_194 : memref<128x64xf32, #tpu.memory_space<hbm>>) target_semaphore(%arg17 : memref<!tpu.dma_semaphore, #tpu.memory_space<semaphore_mem>>)
      %mul3A_199 = arith.constant 8 : i32
      %mul3A_200 = arith.muli %scan3A_103, %mul3A_199 : i32
      %add3A_201 = arith.constant 3 : i32
      %add3A_202 = arith.addi %mul3A_200, %add3A_201 : i32
      %dma_wait3A_203 = arith.constant 0 : i32
      %dma_wait3A_204 = arith.constant 3 : i32
      %dma_wait3A_205 = arith.constant 0 : i32
      %dma_wait3A_206 = arith.constant 0 : i32
      %dma_wait3A_207 = tpu.memref_slice %arg6[%dma_wait3A_204, %dma_wait3A_205, %dma_wait3A_206] : memref<8x128x64xf32, #tpu.memory_space<vmem>> -> memref<1x128x64xf32, #tpu.memory_space<vmem>>
      %dma_wait3A_208 = tpu.memref_squeeze %dma_wait3A_207 : memref<1x128x64xf32, #tpu.memory_space<vmem>> -> memref<128x64xf32, #tpu.memory_space<vmem>>
      %dma_wait3A_209 = arith.constant 0 : i32
      %dma_wait3A_210 = tpu.memref_slice %arg5[%dma_wait3A_203, %dma_wait3A_209] : memref<200x128xi32, #tpu.memory_space<vmem>> -> memref<1x128xi32, #tpu.memory_space<vmem>>
      %dma_wait3A_211 = tpu.memref_squeeze %dma_wait3A_210 : memref<1x128xi32, #tpu.memory_space<vmem>> -> memref<128xi32, #tpu.memory_space<vmem>>
      %dma_wait3A_212 = arith.constant 0 : i32
      %dma_wait3A_213 = arith.constant 0 : i32
      %dma_wait3A_214 = tpu.memref_slice %arg3[%dma_wait3A_212, %dma_wait3A_213] : memref<1001472x64xf32, #tpu.memory_space<hbm>> -> memref<1001472x64xf32, #tpu.memory_space<hbm>>
      tpu.wait_indirect_dma semaphore(%arg10 : memref<!tpu.dma_semaphore, #tpu.memory_space<semaphore_mem>>) src(%dma_wait3A_214 : memref<1001472x64xf32, #tpu.memory_space<hbm>>) dst(%dma_wait3A_208 : memref<128x64xf32, #tpu.memory_space<vmem>>)
      %add3A_215 = arith.addi %mul3A_2, %add3A_202 : i32
      %mul3A_216 = arith.constant 128 : i32
      %mul3A_217 = arith.muli %add3A_215, %mul3A_216 : i32
      %dma_start3A_218 = arith.constant 3 : i32
      %dma_start3A_219 = arith.constant 0 : i32
      %dma_start3A_220 = arith.constant 0 : i32
      %dma_start3A_221 = tpu.memref_slice %arg6[%dma_start3A_218, %dma_start3A_219, %dma_start3A_220] : memref<8x128x64xf32, #tpu.memory_space<vmem>> -> memref<1x128x64xf32, #tpu.memory_space<vmem>>
      %dma_start3A_222 = tpu.memref_squeeze %dma_start3A_221 : memref<1x128x64xf32, #tpu.memory_space<vmem>> -> memref<128x64xf32, #tpu.memory_space<vmem>>
      %dma_start3A_223 = arith.constant 0 : i32
      %dma_start3A_224 = tpu.memref_slice %arg4[%mul3A_217, %dma_start3A_223] : memref<819200x64xf32, #tpu.memory_space<hbm>> -> memref<128x64xf32, #tpu.memory_space<hbm>>
      %dma_start3A_225 = arith.constant 0 : i32
      %dma_start3A_226 = tpu.memref_slice %arg4[%mul3A_217, %dma_start3A_225] : memref<819200x64xf32, #tpu.memory_space<hbm>> -> memref<128x64xf32, #tpu.memory_space<hbm>>
      %dma_start3A_227 = arith.constant 0 : i32
      %dma_start3A_228 = arith.constant 0 : i32
      %dma_start3A_229 = tpu.memref_slice %arg6[%dma_start3A_218, %dma_start3A_227, %dma_start3A_228] : memref<8x128x64xf32, #tpu.memory_space<vmem>> -> memref<1x128x64xf32, #tpu.memory_space<vmem>>
      %dma_start3A_230 = tpu.memref_squeeze %dma_start3A_229 : memref<1x128x64xf32, #tpu.memory_space<vmem>> -> memref<128x64xf32, #tpu.memory_space<vmem>>
      tpu.enqueue_dma source(%dma_start3A_230 : memref<128x64xf32, #tpu.memory_space<vmem>>) target(%dma_start3A_226 : memref<128x64xf32, #tpu.memory_space<hbm>>) target_semaphore(%arg18 : memref<!tpu.dma_semaphore, #tpu.memory_space<semaphore_mem>>)
      %mul3A_231 = arith.constant 8 : i32
      %mul3A_232 = arith.muli %scan3A_103, %mul3A_231 : i32
      %add3A_233 = arith.constant 4 : i32
      %add3A_234 = arith.addi %mul3A_232, %add3A_233 : i32
      %dma_wait3A_235 = arith.constant 0 : i32
      %dma_wait3A_236 = arith.constant 4 : i32
      %dma_wait3A_237 = arith.constant 0 : i32
      %dma_wait3A_238 = arith.constant 0 : i32
      %dma_wait3A_239 = tpu.memref_slice %arg6[%dma_wait3A_236, %dma_wait3A_237, %dma_wait3A_238] : memref<8x128x64xf32, #tpu.memory_space<vmem>> -> memref<1x128x64xf32, #tpu.memory_space<vmem>>
      %dma_wait3A_240 = tpu.memref_squeeze %dma_wait3A_239 : memref<1x128x64xf32, #tpu.memory_space<vmem>> -> memref<128x64xf32, #tpu.memory_space<vmem>>
      %dma_wait3A_241 = arith.constant 0 : i32
      %dma_wait3A_242 = tpu.memref_slice %arg5[%dma_wait3A_235, %dma_wait3A_241] : memref<200x128xi32, #tpu.memory_space<vmem>> -> memref<1x128xi32, #tpu.memory_space<vmem>>
      %dma_wait3A_243 = tpu.memref_squeeze %dma_wait3A_242 : memref<1x128xi32, #tpu.memory_space<vmem>> -> memref<128xi32, #tpu.memory_space<vmem>>
      %dma_wait3A_244 = arith.constant 0 : i32
      %dma_wait3A_245 = arith.constant 0 : i32
      %dma_wait3A_246 = tpu.memref_slice %arg3[%dma_wait3A_244, %dma_wait3A_245] : memref<1001472x64xf32, #tpu.memory_space<hbm>> -> memref<1001472x64xf32, #tpu.memory_space<hbm>>
      tpu.wait_indirect_dma semaphore(%arg11 : memref<!tpu.dma_semaphore, #tpu.memory_space<semaphore_mem>>) src(%dma_wait3A_246 : memref<1001472x64xf32, #tpu.memory_space<hbm>>) dst(%dma_wait3A_240 : memref<128x64xf32, #tpu.memory_space<vmem>>)
      %add3A_247 = arith.addi %mul3A_2, %add3A_234 : i32
      %mul3A_248 = arith.constant 128 : i32
      %mul3A_249 = arith.muli %add3A_247, %mul3A_248 : i32
      %dma_start3A_250 = arith.constant 4 : i32
      %dma_start3A_251 = arith.constant 0 : i32
      %dma_start3A_252 = arith.constant 0 : i32
      %dma_start3A_253 = tpu.memref_slice %arg6[%dma_start3A_250, %dma_start3A_251, %dma_start3A_252] : memref<8x128x64xf32, #tpu.memory_space<vmem>> -> memref<1x128x64xf32, #tpu.memory_space<vmem>>
      %dma_start3A_254 = tpu.memref_squeeze %dma_start3A_253 : memref<1x128x64xf32, #tpu.memory_space<vmem>> -> memref<128x64xf32, #tpu.memory_space<vmem>>
      %dma_start3A_255 = arith.constant 0 : i32
      %dma_start3A_256 = tpu.memref_slice %arg4[%mul3A_249, %dma_start3A_255] : memref<819200x64xf32, #tpu.memory_space<hbm>> -> memref<128x64xf32, #tpu.memory_space<hbm>>
      %dma_start3A_257 = arith.constant 0 : i32
      %dma_start3A_258 = tpu.memref_slice %arg4[%mul3A_249, %dma_start3A_257] : memref<819200x64xf32, #tpu.memory_space<hbm>> -> memref<128x64xf32, #tpu.memory_space<hbm>>
      %dma_start3A_259 = arith.constant 0 : i32
      %dma_start3A_260 = arith.constant 0 : i32
      %dma_start3A_261 = tpu.memref_slice %arg6[%dma_start3A_250, %dma_start3A_259, %dma_start3A_260] : memref<8x128x64xf32, #tpu.memory_space<vmem>> -> memref<1x128x64xf32, #tpu.memory_space<vmem>>
      %dma_start3A_262 = tpu.memref_squeeze %dma_start3A_261 : memref<1x128x64xf32, #tpu.memory_space<vmem>> -> memref<128x64xf32, #tpu.memory_space<vmem>>
      tpu.enqueue_dma source(%dma_start3A_262 : memref<128x64xf32, #tpu.memory_space<vmem>>) target(%dma_start3A_258 : memref<128x64xf32, #tpu.memory_space<hbm>>) target_semaphore(%arg19 : memref<!tpu.dma_semaphore, #tpu.memory_space<semaphore_mem>>)
      %mul3A_263 = arith.constant 8 : i32
      %mul3A_264 = arith.muli %scan3A_103, %mul3A_263 : i32
      %add3A_265 = arith.constant 5 : i32
      %add3A_266 = arith.addi %mul3A_264, %add3A_265 : i32
      %dma_wait3A_267 = arith.constant 0 : i32
      %dma_wait3A_268 = arith.constant 5 : i32
      %dma_wait3A_269 = arith.constant 0 : i32
      %dma_wait3A_270 = arith.constant 0 : i32
      %dma_wait3A_271 = tpu.memref_slice %arg6[%dma_wait3A_268, %dma_wait3A_269, %dma_wait3A_270] : memref<8x128x64xf32, #tpu.memory_space<vmem>> -> memref<1x128x64xf32, #tpu.memory_space<vmem>>
      %dma_wait3A_272 = tpu.memref_squeeze %dma_wait3A_271 : memref<1x128x64xf32, #tpu.memory_space<vmem>> -> memref<128x64xf32, #tpu.memory_space<vmem>>
      %dma_wait3A_273 = arith.constant 0 : i32
      %dma_wait3A_274 = tpu.memref_slice %arg5[%dma_wait3A_267, %dma_wait3A_273] : memref<200x128xi32, #tpu.memory_space<vmem>> -> memref<1x128xi32, #tpu.memory_space<vmem>>
      %dma_wait3A_275 = tpu.memref_squeeze %dma_wait3A_274 : memref<1x128xi32, #tpu.memory_space<vmem>> -> memref<128xi32, #tpu.memory_space<vmem>>
      %dma_wait3A_276 = arith.constant 0 : i32
      %dma_wait3A_277 = arith.constant 0 : i32
      %dma_wait3A_278 = tpu.memref_slice %arg3[%dma_wait3A_276, %dma_wait3A_277] : memref<1001472x64xf32, #tpu.memory_space<hbm>> -> memref<1001472x64xf32, #tpu.memory_space<hbm>>
      tpu.wait_indirect_dma semaphore(%arg12 : memref<!tpu.dma_semaphore, #tpu.memory_space<semaphore_mem>>) src(%dma_wait3A_278 : memref<1001472x64xf32, #tpu.memory_space<hbm>>) dst(%dma_wait3A_272 : memref<128x64xf32, #tpu.memory_space<vmem>>)
      %add3A_279 = arith.addi %mul3A_2, %add3A_266 : i32
      %mul3A_280 = arith.constant 128 : i32
      %mul3A_281 = arith.muli %add3A_279, %mul3A_280 : i32
      %dma_start3A_282 = arith.constant 5 : i32
      %dma_start3A_283 = arith.constant 0 : i32
      %dma_start3A_284 = arith.constant 0 : i32
      %dma_start3A_285 = tpu.memref_slice %arg6[%dma_start3A_282, %dma_start3A_283, %dma_start3A_284] : memref<8x128x64xf32, #tpu.memory_space<vmem>> -> memref<1x128x64xf32, #tpu.memory_space<vmem>>
      %dma_start3A_286 = tpu.memref_squeeze %dma_start3A_285 : memref<1x128x64xf32, #tpu.memory_space<vmem>> -> memref<128x64xf32, #tpu.memory_space<vmem>>
      %dma_start3A_287 = arith.constant 0 : i32
      %dma_start3A_288 = tpu.memref_slice %arg4[%mul3A_281, %dma_start3A_287] : memref<819200x64xf32, #tpu.memory_space<hbm>> -> memref<128x64xf32, #tpu.memory_space<hbm>>
      %dma_start3A_289 = arith.constant 0 : i32
      %dma_start3A_290 = tpu.memref_slice %arg4[%mul3A_281, %dma_start3A_289] : memref<819200x64xf32, #tpu.memory_space<hbm>> -> memref<128x64xf32, #tpu.memory_space<hbm>>
      %dma_start3A_291 = arith.constant 0 : i32
      %dma_start3A_292 = arith.constant 0 : i32
      %dma_start3A_293 = tpu.memref_slice %arg6[%dma_start3A_282, %dma_start3A_291, %dma_start3A_292] : memref<8x128x64xf32, #tpu.memory_space<vmem>> -> memref<1x128x64xf32, #tpu.memory_space<vmem>>
      %dma_start3A_294 = tpu.memref_squeeze %dma_start3A_293 : memref<1x128x64xf32, #tpu.memory_space<vmem>> -> memref<128x64xf32, #tpu.memory_space<vmem>>
      tpu.enqueue_dma source(%dma_start3A_294 : memref<128x64xf32, #tpu.memory_space<vmem>>) target(%dma_start3A_290 : memref<128x64xf32, #tpu.memory_space<hbm>>) target_semaphore(%arg20 : memref<!tpu.dma_semaphore, #tpu.memory_space<semaphore_mem>>)
      %mul3A_295 = arith.constant 8 : i32
      %mul3A_296 = arith.muli %scan3A_103, %mul3A_295 : i32
      %add3A_297 = arith.constant 6 : i32
      %add3A_298 = arith.addi %mul3A_296, %add3A_297 : i32
      %dma_wait3A_299 = arith.constant 0 : i32
      %dma_wait3A_300 = arith.constant 6 : i32
      %dma_wait3A_301 = arith.constant 0 : i32
      %dma_wait3A_302 = arith.constant 0 : i32
      %dma_wait3A_303 = tpu.memref_slice %arg6[%dma_wait3A_300, %dma_wait3A_301, %dma_wait3A_302] : memref<8x128x64xf32, #tpu.memory_space<vmem>> -> memref<1x128x64xf32, #tpu.memory_space<vmem>>
      %dma_wait3A_304 = tpu.memref_squeeze %dma_wait3A_303 : memref<1x128x64xf32, #tpu.memory_space<vmem>> -> memref<128x64xf32, #tpu.memory_space<vmem>>
      %dma_wait3A_305 = arith.constant 0 : i32
      %dma_wait3A_306 = tpu.memref_slice %arg5[%dma_wait3A_299, %dma_wait3A_305] : memref<200x128xi32, #tpu.memory_space<vmem>> -> memref<1x128xi32, #tpu.memory_space<vmem>>
      %dma_wait3A_307 = tpu.memref_squeeze %dma_wait3A_306 : memref<1x128xi32, #tpu.memory_space<vmem>> -> memref<128xi32, #tpu.memory_space<vmem>>
      %dma_wait3A_308 = arith.constant 0 : i32
      %dma_wait3A_309 = arith.constant 0 : i32
      %dma_wait3A_310 = tpu.memref_slice %arg3[%dma_wait3A_308, %dma_wait3A_309] : memref<1001472x64xf32, #tpu.memory_space<hbm>> -> memref<1001472x64xf32, #tpu.memory_space<hbm>>
      tpu.wait_indirect_dma semaphore(%arg13 : memref<!tpu.dma_semaphore, #tpu.memory_space<semaphore_mem>>) src(%dma_wait3A_310 : memref<1001472x64xf32, #tpu.memory_space<hbm>>) dst(%dma_wait3A_304 : memref<128x64xf32, #tpu.memory_space<vmem>>)
      %add3A_311 = arith.addi %mul3A_2, %add3A_298 : i32
      %mul3A_312 = arith.constant 128 : i32
      %mul3A_313 = arith.muli %add3A_311, %mul3A_312 : i32
      %dma_start3A_314 = arith.constant 6 : i32
      %dma_start3A_315 = arith.constant 0 : i32
      %dma_start3A_316 = arith.constant 0 : i32
      %dma_start3A_317 = tpu.memref_slice %arg6[%dma_start3A_314, %dma_start3A_315, %dma_start3A_316] : memref<8x128x64xf32, #tpu.memory_space<vmem>> -> memref<1x128x64xf32, #tpu.memory_space<vmem>>
      %dma_start3A_318 = tpu.memref_squeeze %dma_start3A_317 : memref<1x128x64xf32, #tpu.memory_space<vmem>> -> memref<128x64xf32, #tpu.memory_space<vmem>>
      %dma_start3A_319 = arith.constant 0 : i32
      %dma_start3A_320 = tpu.memref_slice %arg4[%mul3A_313, %dma_start3A_319] : memref<819200x64xf32, #tpu.memory_space<hbm>> -> memref<128x64xf32, #tpu.memory_space<hbm>>
      %dma_start3A_321 = arith.constant 0 : i32
      %dma_start3A_322 = tpu.memref_slice %arg4[%mul3A_313, %dma_start3A_321] : memref<819200x64xf32, #tpu.memory_space<hbm>> -> memref<128x64xf32, #tpu.memory_space<hbm>>
      %dma_start3A_323 = arith.constant 0 : i32
      %dma_start3A_324 = arith.constant 0 : i32
      %dma_start3A_325 = tpu.memref_slice %arg6[%dma_start3A_314, %dma_start3A_323, %dma_start3A_324] : memref<8x128x64xf32, #tpu.memory_space<vmem>> -> memref<1x128x64xf32, #tpu.memory_space<vmem>>
      %dma_start3A_326 = tpu.memref_squeeze %dma_start3A_325 : memref<1x128x64xf32, #tpu.memory_space<vmem>> -> memref<128x64xf32, #tpu.memory_space<vmem>>
      tpu.enqueue_dma source(%dma_start3A_326 : memref<128x64xf32, #tpu.memory_space<vmem>>) target(%dma_start3A_322 : memref<128x64xf32, #tpu.memory_space<hbm>>) target_semaphore(%arg21 : memref<!tpu.dma_semaphore, #tpu.memory_space<semaphore_mem>>)
      %mul3A_327 = arith.constant 8 : i32
      %mul3A_328 = arith.muli %scan3A_103, %mul3A_327 : i32
      %add3A_329 = arith.constant 7 : i32
      %add3A_330 = arith.addi %mul3A_328, %add3A_329 : i32
      %dma_wait3A_331 = arith.constant 0 : i32
      %dma_wait3A_332 = arith.constant 7 : i32
      %dma_wait3A_333 = arith.constant 0 : i32
      %dma_wait3A_334 = arith.constant 0 : i32
      %dma_wait3A_335 = tpu.memref_slice %arg6[%dma_wait3A_332, %dma_wait3A_333, %dma_wait3A_334] : memref<8x128x64xf32, #tpu.memory_space<vmem>> -> memref<1x128x64xf32, #tpu.memory_space<vmem>>
      %dma_wait3A_336 = tpu.memref_squeeze %dma_wait3A_335 : memref<1x128x64xf32, #tpu.memory_space<vmem>> -> memref<128x64xf32, #tpu.memory_space<vmem>>
      %dma_wait3A_337 = arith.constant 0 : i32
      %dma_wait3A_338 = tpu.memref_slice %arg5[%dma_wait3A_331, %dma_wait3A_337] : memref<200x128xi32, #tpu.memory_space<vmem>> -> memref<1x128xi32, #tpu.memory_space<vmem>>
      %dma_wait3A_339 = tpu.memref_squeeze %dma_wait3A_338 : memref<1x128xi32, #tpu.memory_space<vmem>> -> memref<128xi32, #tpu.memory_space<vmem>>
      %dma_wait3A_340 = arith.constant 0 : i32
      %dma_wait3A_341 = arith.constant 0 : i32
      %dma_wait3A_342 = tpu.memref_slice %arg3[%dma_wait3A_340, %dma_wait3A_341] : memref<1001472x64xf32, #tpu.memory_space<hbm>> -> memref<1001472x64xf32, #tpu.memory_space<hbm>>
      tpu.wait_indirect_dma semaphore(%arg14 : memref<!tpu.dma_semaphore, #tpu.memory_space<semaphore_mem>>) src(%dma_wait3A_342 : memref<1001472x64xf32, #tpu.memory_space<hbm>>) dst(%dma_wait3A_336 : memref<128x64xf32, #tpu.memory_space<vmem>>)
      %add3A_343 = arith.addi %mul3A_2, %add3A_330 : i32
      %mul3A_344 = arith.constant 128 : i32
      %mul3A_345 = arith.muli %add3A_343, %mul3A_344 : i32
      %dma_start3A_346 = arith.constant 7 : i32
      %dma_start3A_347 = arith.constant 0 : i32
      %dma_start3A_348 = arith.constant 0 : i32
      %dma_start3A_349 = tpu.memref_slice %arg6[%dma_start3A_346, %dma_start3A_347, %dma_start3A_348] : memref<8x128x64xf32, #tpu.memory_space<vmem>> -> memref<1x128x64xf32, #tpu.memory_space<vmem>>
      %dma_start3A_350 = tpu.memref_squeeze %dma_start3A_349 : memref<1x128x64xf32, #tpu.memory_space<vmem>> -> memref<128x64xf32, #tpu.memory_space<vmem>>
      %dma_start3A_351 = arith.constant 0 : i32
      %dma_start3A_352 = tpu.memref_slice %arg4[%mul3A_345, %dma_start3A_351] : memref<819200x64xf32, #tpu.memory_space<hbm>> -> memref<128x64xf32, #tpu.memory_space<hbm>>
      %dma_start3A_353 = arith.constant 0 : i32
      %dma_start3A_354 = tpu.memref_slice %arg4[%mul3A_345, %dma_start3A_353] : memref<819200x64xf32, #tpu.memory_space<hbm>> -> memref<128x64xf32, #tpu.memory_space<hbm>>
      %dma_start3A_355 = arith.constant 0 : i32
      %dma_start3A_356 = arith.constant 0 : i32
      %dma_start3A_357 = tpu.memref_slice %arg6[%dma_start3A_346, %dma_start3A_355, %dma_start3A_356] : memref<8x128x64xf32, #tpu.memory_space<vmem>> -> memref<1x128x64xf32, #tpu.memory_space<vmem>>
      %dma_start3A_358 = tpu.memref_squeeze %dma_start3A_357 : memref<1x128x64xf32, #tpu.memory_space<vmem>> -> memref<128x64xf32, #tpu.memory_space<vmem>>
      tpu.enqueue_dma source(%dma_start3A_358 : memref<128x64xf32, #tpu.memory_space<vmem>>) target(%dma_start3A_354 : memref<128x64xf32, #tpu.memory_space<hbm>>) target_semaphore(%arg22 : memref<!tpu.dma_semaphore, #tpu.memory_space<semaphore_mem>>)
      %dma_wait3A_359 = arith.constant 0 : i32
      %dma_wait3A_360 = arith.constant 0 : i32
      %dma_wait3A_361 = arith.constant 0 : i32
      %dma_wait3A_362 = tpu.memref_slice %arg6[%dma_wait3A_359, %dma_wait3A_360, %dma_wait3A_361] : memref<8x128x64xf32, #tpu.memory_space<vmem>> -> memref<1x128x64xf32, #tpu.memory_space<vmem>>
      %dma_wait3A_363 = tpu.memref_squeeze %dma_wait3A_362 : memref<1x128x64xf32, #tpu.memory_space<vmem>> -> memref<128x64xf32, #tpu.memory_space<vmem>>
      %dma_wait3A_364 = arith.constant 0 : i32
      %dma_wait3A_365 = arith.constant 0 : i32
      %dma_wait3A_366 = tpu.memref_slice %arg4[%dma_wait3A_364, %dma_wait3A_365] : memref<819200x64xf32, #tpu.memory_space<hbm>> -> memref<128x64xf32, #tpu.memory_space<hbm>>
      %dma_wait3A_367 = arith.constant 0 : i32
      %dma_wait3A_368 = arith.constant 0 : i32
      %dma_wait3A_369 = tpu.memref_slice %arg4[%dma_wait3A_367, %dma_wait3A_368] : memref<819200x64xf32, #tpu.memory_space<hbm>> -> memref<128x64xf32, #tpu.memory_space<hbm>>
      %dma_wait3A_370 = arith.constant 0 : i32
      %dma_wait3A_371 = arith.constant 0 : i32
      %dma_wait3A_372 = tpu.memref_slice %arg6[%dma_wait3A_359, %dma_wait3A_370, %dma_wait3A_371] : memref<8x128x64xf32, #tpu.memory_space<vmem>> -> memref<1x128x64xf32, #tpu.memory_space<vmem>>
      %dma_wait3A_373 = tpu.memref_squeeze %dma_wait3A_372 : memref<1x128x64xf32, #tpu.memory_space<vmem>> -> memref<128x64xf32, #tpu.memory_space<vmem>>
      tpu.wait_dma2 semaphore(%arg15 : memref<!tpu.dma_semaphore, #tpu.memory_space<semaphore_mem>>) src(%dma_wait3A_373 : memref<128x64xf32, #tpu.memory_space<vmem>>) dst(%dma_wait3A_369 : memref<128x64xf32, #tpu.memory_space<hbm>>)
      %lt3A = arith.constant 24 : i32
      %lt3A_374 = arith.cmpi slt, %scan3A_103, %lt3A : i32
      %convert_element_type3A = arith.extui %lt3A_374 : i1 to i32
      %cond3A = arith.constant 0 : i32
      %cond3A_375 = arith.cmpi ne, %convert_element_type3A, %cond3A : i32
      scf.if %cond3A_375 {
        %add3A_516 = arith.constant 1 : i32
        %add3A_517 = arith.addi %scan3A_103, %add3A_516 : i32
        %mul3A_518 = arith.constant 8 : i32
        %mul3A_519 = arith.muli %add3A_517, %mul3A_518 : i32
        %add3A_520 = arith.constant 0 : i32
        %add3A_521 = arith.addi %mul3A_519, %add3A_520 : i32
        %dma_start3A_522 = arith.constant 0 : i32
        %dma_start3A_523 = arith.constant 0 : i32
        %dma_start3A_524 = arith.constant 0 : i32
        %dma_start3A_525 = tpu.memref_slice %arg6[%dma_start3A_522, %dma_start3A_523, %dma_start3A_524] : memref<8x128x64xf32, #tpu.memory_space<vmem>> -> memref<1x128x64xf32, #tpu.memory_space<vmem>>
        %dma_start3A_526 = tpu.memref_squeeze %dma_start3A_525 : memref<1x128x64xf32, #tpu.memory_space<vmem>> -> memref<128x64xf32, #tpu.memory_space<vmem>>
        %dma_start3A_527 = arith.constant 0 : i32
        %dma_start3A_528 = tpu.memref_slice %arg5[%add3A_521, %dma_start3A_527] : memref<200x128xi32, #tpu.memory_space<vmem>> -> memref<1x128xi32, #tpu.memory_space<vmem>>
        %dma_start3A_529 = tpu.memref_squeeze %dma_start3A_528 : memref<1x128xi32, #tpu.memory_space<vmem>> -> memref<128xi32, #tpu.memory_space<vmem>>
        %dma_start3A_530 = arith.constant 0 : i32
        %dma_start3A_531 = arith.constant 0 : i32
        %dma_start3A_532 = tpu.memref_slice %arg3[%dma_start3A_530, %dma_start3A_531] : memref<1001472x64xf32, #tpu.memory_space<hbm>> -> memref<1001472x64xf32, #tpu.memory_space<hbm>>
        tpu.enqueue_indirect_dma source(%dma_start3A_532 : memref<1001472x64xf32, #tpu.memory_space<hbm>>) target(%dma_start3A_526 : memref<128x64xf32, #tpu.memory_space<vmem>>) offsets(%dma_start3A_529 : memref<128xi32, #tpu.memory_space<vmem>>) semaphore(%arg7 : memref<!tpu.dma_semaphore, #tpu.memory_space<semaphore_mem>>)
      } else {
      }
      %dma_wait3A_376 = arith.constant 1 : i32
      %dma_wait3A_377 = arith.constant 0 : i32
      %dma_wait3A_378 = arith.constant 0 : i32
      %dma_wait3A_379 = tpu.memref_slice %arg6[%dma_wait3A_376, %dma_wait3A_377, %dma_wait3A_378] : memref<8x128x64xf32, #tpu.memory_space<vmem>> -> memref<1x128x64xf32, #tpu.memory_space<vmem>>
      %dma_wait3A_380 = tpu.memref_squeeze %dma_wait3A_379 : memref<1x128x64xf32, #tpu.memory_space<vmem>> -> memref<128x64xf32, #tpu.memory_space<vmem>>
      %dma_wait3A_381 = arith.constant 0 : i32
      %dma_wait3A_382 = arith.constant 0 : i32
      %dma_wait3A_383 = tpu.memref_slice %arg4[%dma_wait3A_381, %dma_wait3A_382] : memref<819200x64xf32, #tpu.memory_space<hbm>> -> memref<128x64xf32, #tpu.memory_space<hbm>>
      %dma_wait3A_384 = arith.constant 0 : i32
      %dma_wait3A_385 = arith.constant 0 : i32
      %dma_wait3A_386 = tpu.memref_slice %arg4[%dma_wait3A_384, %dma_wait3A_385] : memref<819200x64xf32, #tpu.memory_space<hbm>> -> memref<128x64xf32, #tpu.memory_space<hbm>>
      %dma_wait3A_387 = arith.constant 0 : i32
      %dma_wait3A_388 = arith.constant 0 : i32
      %dma_wait3A_389 = tpu.memref_slice %arg6[%dma_wait3A_376, %dma_wait3A_387, %dma_wait3A_388] : memref<8x128x64xf32, #tpu.memory_space<vmem>> -> memref<1x128x64xf32, #tpu.memory_space<vmem>>
      %dma_wait3A_390 = tpu.memref_squeeze %dma_wait3A_389 : memref<1x128x64xf32, #tpu.memory_space<vmem>> -> memref<128x64xf32, #tpu.memory_space<vmem>>
      tpu.wait_dma2 semaphore(%arg16 : memref<!tpu.dma_semaphore, #tpu.memory_space<semaphore_mem>>) src(%dma_wait3A_390 : memref<128x64xf32, #tpu.memory_space<vmem>>) dst(%dma_wait3A_386 : memref<128x64xf32, #tpu.memory_space<hbm>>)
      %lt3A_391 = arith.constant 24 : i32
      %lt3A_392 = arith.cmpi slt, %scan3A_103, %lt3A_391 : i32
      %convert_element_type3A_393 = arith.extui %lt3A_392 : i1 to i32
      %cond3A_394 = arith.constant 0 : i32
      %cond3A_395 = arith.cmpi ne, %convert_element_type3A_393, %cond3A_394 : i32
      scf.if %cond3A_395 {
        %add3A_516 = arith.constant 1 : i32
        %add3A_517 = arith.addi %scan3A_103, %add3A_516 : i32
        %mul3A_518 = arith.constant 8 : i32
        %mul3A_519 = arith.muli %add3A_517, %mul3A_518 : i32
        %add3A_520 = arith.constant 1 : i32
        %add3A_521 = arith.addi %mul3A_519, %add3A_520 : i32
        %dma_start3A_522 = arith.constant 1 : i32
        %dma_start3A_523 = arith.constant 0 : i32
        %dma_start3A_524 = arith.constant 0 : i32
        %dma_start3A_525 = tpu.memref_slice %arg6[%dma_start3A_522, %dma_start3A_523, %dma_start3A_524] : memref<8x128x64xf32, #tpu.memory_space<vmem>> -> memref<1x128x64xf32, #tpu.memory_space<vmem>>
        %dma_start3A_526 = tpu.memref_squeeze %dma_start3A_525 : memref<1x128x64xf32, #tpu.memory_space<vmem>> -> memref<128x64xf32, #tpu.memory_space<vmem>>
        %dma_start3A_527 = arith.constant 0 : i32
        %dma_start3A_528 = tpu.memref_slice %arg5[%add3A_521, %dma_start3A_527] : memref<200x128xi32, #tpu.memory_space<vmem>> -> memref<1x128xi32, #tpu.memory_space<vmem>>
        %dma_start3A_529 = tpu.memref_squeeze %dma_start3A_528 : memref<1x128xi32, #tpu.memory_space<vmem>> -> memref<128xi32, #tpu.memory_space<vmem>>
        %dma_start3A_530 = arith.constant 0 : i32
        %dma_start3A_531 = arith.constant 0 : i32
        %dma_start3A_532 = tpu.memref_slice %arg3[%dma_start3A_530, %dma_start3A_531] : memref<1001472x64xf32, #tpu.memory_space<hbm>> -> memref<1001472x64xf32, #tpu.memory_space<hbm>>
        tpu.enqueue_indirect_dma source(%dma_start3A_532 : memref<1001472x64xf32, #tpu.memory_space<hbm>>) target(%dma_start3A_526 : memref<128x64xf32, #tpu.memory_space<vmem>>) offsets(%dma_start3A_529 : memref<128xi32, #tpu.memory_space<vmem>>) semaphore(%arg8 : memref<!tpu.dma_semaphore, #tpu.memory_space<semaphore_mem>>)
      } else {
      }
      %dma_wait3A_396 = arith.constant 2 : i32
      %dma_wait3A_397 = arith.constant 0 : i32
      %dma_wait3A_398 = arith.constant 0 : i32
      %dma_wait3A_399 = tpu.memref_slice %arg6[%dma_wait3A_396, %dma_wait3A_397, %dma_wait3A_398] : memref<8x128x64xf32, #tpu.memory_space<vmem>> -> memref<1x128x64xf32, #tpu.memory_space<vmem>>
      %dma_wait3A_400 = tpu.memref_squeeze %dma_wait3A_399 : memref<1x128x64xf32, #tpu.memory_space<vmem>> -> memref<128x64xf32, #tpu.memory_space<vmem>>
      %dma_wait3A_401 = arith.constant 0 : i32
      %dma_wait3A_402 = arith.constant 0 : i32
      %dma_wait3A_403 = tpu.memref_slice %arg4[%dma_wait3A_401, %dma_wait3A_402] : memref<819200x64xf32, #tpu.memory_space<hbm>> -> memref<128x64xf32, #tpu.memory_space<hbm>>
      %dma_wait3A_404 = arith.constant 0 : i32
      %dma_wait3A_405 = arith.constant 0 : i32
      %dma_wait3A_406 = tpu.memref_slice %arg4[%dma_wait3A_404, %dma_wait3A_405] : memref<819200x64xf32, #tpu.memory_space<hbm>> -> memref<128x64xf32, #tpu.memory_space<hbm>>
      %dma_wait3A_407 = arith.constant 0 : i32
      %dma_wait3A_408 = arith.constant 0 : i32
      %dma_wait3A_409 = tpu.memref_slice %arg6[%dma_wait3A_396, %dma_wait3A_407, %dma_wait3A_408] : memref<8x128x64xf32, #tpu.memory_space<vmem>> -> memref<1x128x64xf32, #tpu.memory_space<vmem>>
      %dma_wait3A_410 = tpu.memref_squeeze %dma_wait3A_409 : memref<1x128x64xf32, #tpu.memory_space<vmem>> -> memref<128x64xf32, #tpu.memory_space<vmem>>
      tpu.wait_dma2 semaphore(%arg17 : memref<!tpu.dma_semaphore, #tpu.memory_space<semaphore_mem>>) src(%dma_wait3A_410 : memref<128x64xf32, #tpu.memory_space<vmem>>) dst(%dma_wait3A_406 : memref<128x64xf32, #tpu.memory_space<hbm>>)
      %lt3A_411 = arith.constant 24 : i32
      %lt3A_412 = arith.cmpi slt, %scan3A_103, %lt3A_411 : i32
      %convert_element_type3A_413 = arith.extui %lt3A_412 : i1 to i32
      %cond3A_414 = arith.constant 0 : i32
      %cond3A_415 = arith.cmpi ne, %convert_element_type3A_413, %cond3A_414 : i32
      scf.if %cond3A_415 {
        %add3A_516 = arith.constant 1 : i32
        %add3A_517 = arith.addi %scan3A_103, %add3A_516 : i32
        %mul3A_518 = arith.constant 8 : i32
        %mul3A_519 = arith.muli %add3A_517, %mul3A_518 : i32
        %add3A_520 = arith.constant 2 : i32
        %add3A_521 = arith.addi %mul3A_519, %add3A_520 : i32
        %dma_start3A_522 = arith.constant 2 : i32
        %dma_start3A_523 = arith.constant 0 : i32
        %dma_start3A_524 = arith.constant 0 : i32
        %dma_start3A_525 = tpu.memref_slice %arg6[%dma_start3A_522, %dma_start3A_523, %dma_start3A_524] : memref<8x128x64xf32, #tpu.memory_space<vmem>> -> memref<1x128x64xf32, #tpu.memory_space<vmem>>
        %dma_start3A_526 = tpu.memref_squeeze %dma_start3A_525 : memref<1x128x64xf32, #tpu.memory_space<vmem>> -> memref<128x64xf32, #tpu.memory_space<vmem>>
        %dma_start3A_527 = arith.constant 0 : i32
        %dma_start3A_528 = tpu.memref_slice %arg5[%add3A_521, %dma_start3A_527] : memref<200x128xi32, #tpu.memory_space<vmem>> -> memref<1x128xi32, #tpu.memory_space<vmem>>
        %dma_start3A_529 = tpu.memref_squeeze %dma_start3A_528 : memref<1x128xi32, #tpu.memory_space<vmem>> -> memref<128xi32, #tpu.memory_space<vmem>>
        %dma_start3A_530 = arith.constant 0 : i32
        %dma_start3A_531 = arith.constant 0 : i32
        %dma_start3A_532 = tpu.memref_slice %arg3[%dma_start3A_530, %dma_start3A_531] : memref<1001472x64xf32, #tpu.memory_space<hbm>> -> memref<1001472x64xf32, #tpu.memory_space<hbm>>
        tpu.enqueue_indirect_dma source(%dma_start3A_532 : memref<1001472x64xf32, #tpu.memory_space<hbm>>) target(%dma_start3A_526 : memref<128x64xf32, #tpu.memory_space<vmem>>) offsets(%dma_start3A_529 : memref<128xi32, #tpu.memory_space<vmem>>) semaphore(%arg9 : memref<!tpu.dma_semaphore, #tpu.memory_space<semaphore_mem>>)
      } else {
      }
      %dma_wait3A_416 = arith.constant 3 : i32
      %dma_wait3A_417 = arith.constant 0 : i32
      %dma_wait3A_418 = arith.constant 0 : i32
      %dma_wait3A_419 = tpu.memref_slice %arg6[%dma_wait3A_416, %dma_wait3A_417, %dma_wait3A_418] : memref<8x128x64xf32, #tpu.memory_space<vmem>> -> memref<1x128x64xf32, #tpu.memory_space<vmem>>
      %dma_wait3A_420 = tpu.memref_squeeze %dma_wait3A_419 : memref<1x128x64xf32, #tpu.memory_space<vmem>> -> memref<128x64xf32, #tpu.memory_space<vmem>>
      %dma_wait3A_421 = arith.constant 0 : i32
      %dma_wait3A_422 = arith.constant 0 : i32
      %dma_wait3A_423 = tpu.memref_slice %arg4[%dma_wait3A_421, %dma_wait3A_422] : memref<819200x64xf32, #tpu.memory_space<hbm>> -> memref<128x64xf32, #tpu.memory_space<hbm>>
      %dma_wait3A_424 = arith.constant 0 : i32
      %dma_wait3A_425 = arith.constant 0 : i32
      %dma_wait3A_426 = tpu.memref_slice %arg4[%dma_wait3A_424, %dma_wait3A_425] : memref<819200x64xf32, #tpu.memory_space<hbm>> -> memref<128x64xf32, #tpu.memory_space<hbm>>
      %dma_wait3A_427 = arith.constant 0 : i32
      %dma_wait3A_428 = arith.constant 0 : i32
      %dma_wait3A_429 = tpu.memref_slice %arg6[%dma_wait3A_416, %dma_wait3A_427, %dma_wait3A_428] : memref<8x128x64xf32, #tpu.memory_space<vmem>> -> memref<1x128x64xf32, #tpu.memory_space<vmem>>
      %dma_wait3A_430 = tpu.memref_squeeze %dma_wait3A_429 : memref<1x128x64xf32, #tpu.memory_space<vmem>> -> memref<128x64xf32, #tpu.memory_space<vmem>>
      tpu.wait_dma2 semaphore(%arg18 : memref<!tpu.dma_semaphore, #tpu.memory_space<semaphore_mem>>) src(%dma_wait3A_430 : memref<128x64xf32, #tpu.memory_space<vmem>>) dst(%dma_wait3A_426 : memref<128x64xf32, #tpu.memory_space<hbm>>)
      %lt3A_431 = arith.constant 24 : i32
      %lt3A_432 = arith.cmpi slt, %scan3A_103, %lt3A_431 : i32
      %convert_element_type3A_433 = arith.extui %lt3A_432 : i1 to i32
      %cond3A_434 = arith.constant 0 : i32
      %cond3A_435 = arith.cmpi ne, %convert_element_type3A_433, %cond3A_434 : i32
      scf.if %cond3A_435 {
        %add3A_516 = arith.constant 1 : i32
        %add3A_517 = arith.addi %scan3A_103, %add3A_516 : i32
        %mul3A_518 = arith.constant 8 : i32
        %mul3A_519 = arith.muli %add3A_517, %mul3A_518 : i32
        %add3A_520 = arith.constant 3 : i32
        %add3A_521 = arith.addi %mul3A_519, %add3A_520 : i32
        %dma_start3A_522 = arith.constant 3 : i32
        %dma_start3A_523 = arith.constant 0 : i32
        %dma_start3A_524 = arith.constant 0 : i32
        %dma_start3A_525 = tpu.memref_slice %arg6[%dma_start3A_522, %dma_start3A_523, %dma_start3A_524] : memref<8x128x64xf32, #tpu.memory_space<vmem>> -> memref<1x128x64xf32, #tpu.memory_space<vmem>>
        %dma_start3A_526 = tpu.memref_squeeze %dma_start3A_525 : memref<1x128x64xf32, #tpu.memory_space<vmem>> -> memref<128x64xf32, #tpu.memory_space<vmem>>
        %dma_start3A_527 = arith.constant 0 : i32
        %dma_start3A_528 = tpu.memref_slice %arg5[%add3A_521, %dma_start3A_527] : memref<200x128xi32, #tpu.memory_space<vmem>> -> memref<1x128xi32, #tpu.memory_space<vmem>>
        %dma_start3A_529 = tpu.memref_squeeze %dma_start3A_528 : memref<1x128xi32, #tpu.memory_space<vmem>> -> memref<128xi32, #tpu.memory_space<vmem>>
        %dma_start3A_530 = arith.constant 0 : i32
        %dma_start3A_531 = arith.constant 0 : i32
        %dma_start3A_532 = tpu.memref_slice %arg3[%dma_start3A_530, %dma_start3A_531] : memref<1001472x64xf32, #tpu.memory_space<hbm>> -> memref<1001472x64xf32, #tpu.memory_space<hbm>>
        tpu.enqueue_indirect_dma source(%dma_start3A_532 : memref<1001472x64xf32, #tpu.memory_space<hbm>>) target(%dma_start3A_526 : memref<128x64xf32, #tpu.memory_space<vmem>>) offsets(%dma_start3A_529 : memref<128xi32, #tpu.memory_space<vmem>>) semaphore(%arg10 : memref<!tpu.dma_semaphore, #tpu.memory_space<semaphore_mem>>)
      } else {
      }
      %dma_wait3A_436 = arith.constant 4 : i32
      %dma_wait3A_437 = arith.constant 0 : i32
      %dma_wait3A_438 = arith.constant 0 : i32
      %dma_wait3A_439 = tpu.memref_slice %arg6[%dma_wait3A_436, %dma_wait3A_437, %dma_wait3A_438] : memref<8x128x64xf32, #tpu.memory_space<vmem>> -> memref<1x128x64xf32, #tpu.memory_space<vmem>>
      %dma_wait3A_440 = tpu.memref_squeeze %dma_wait3A_439 : memref<1x128x64xf32, #tpu.memory_space<vmem>> -> memref<128x64xf32, #tpu.memory_space<vmem>>
      %dma_wait3A_441 = arith.constant 0 : i32
      %dma_wait3A_442 = arith.constant 0 : i32
      %dma_wait3A_443 = tpu.memref_slice %arg4[%dma_wait3A_441, %dma_wait3A_442] : memref<819200x64xf32, #tpu.memory_space<hbm>> -> memref<128x64xf32, #tpu.memory_space<hbm>>
      %dma_wait3A_444 = arith.constant 0 : i32
      %dma_wait3A_445 = arith.constant 0 : i32
      %dma_wait3A_446 = tpu.memref_slice %arg4[%dma_wait3A_444, %dma_wait3A_445] : memref<819200x64xf32, #tpu.memory_space<hbm>> -> memref<128x64xf32, #tpu.memory_space<hbm>>
      %dma_wait3A_447 = arith.constant 0 : i32
      %dma_wait3A_448 = arith.constant 0 : i32
      %dma_wait3A_449 = tpu.memref_slice %arg6[%dma_wait3A_436, %dma_wait3A_447, %dma_wait3A_448] : memref<8x128x64xf32, #tpu.memory_space<vmem>> -> memref<1x128x64xf32, #tpu.memory_space<vmem>>
      %dma_wait3A_450 = tpu.memref_squeeze %dma_wait3A_449 : memref<1x128x64xf32, #tpu.memory_space<vmem>> -> memref<128x64xf32, #tpu.memory_space<vmem>>
      tpu.wait_dma2 semaphore(%arg19 : memref<!tpu.dma_semaphore, #tpu.memory_space<semaphore_mem>>) src(%dma_wait3A_450 : memref<128x64xf32, #tpu.memory_space<vmem>>) dst(%dma_wait3A_446 : memref<128x64xf32, #tpu.memory_space<hbm>>)
      %lt3A_451 = arith.constant 24 : i32
      %lt3A_452 = arith.cmpi slt, %scan3A_103, %lt3A_451 : i32
      %convert_element_type3A_453 = arith.extui %lt3A_452 : i1 to i32
      %cond3A_454 = arith.constant 0 : i32
      %cond3A_455 = arith.cmpi ne, %convert_element_type3A_453, %cond3A_454 : i32
      scf.if %cond3A_455 {
        %add3A_516 = arith.constant 1 : i32
        %add3A_517 = arith.addi %scan3A_103, %add3A_516 : i32
        %mul3A_518 = arith.constant 8 : i32
        %mul3A_519 = arith.muli %add3A_517, %mul3A_518 : i32
        %add3A_520 = arith.constant 4 : i32
        %add3A_521 = arith.addi %mul3A_519, %add3A_520 : i32
        %dma_start3A_522 = arith.constant 4 : i32
        %dma_start3A_523 = arith.constant 0 : i32
        %dma_start3A_524 = arith.constant 0 : i32
        %dma_start3A_525 = tpu.memref_slice %arg6[%dma_start3A_522, %dma_start3A_523, %dma_start3A_524] : memref<8x128x64xf32, #tpu.memory_space<vmem>> -> memref<1x128x64xf32, #tpu.memory_space<vmem>>
        %dma_start3A_526 = tpu.memref_squeeze %dma_start3A_525 : memref<1x128x64xf32, #tpu.memory_space<vmem>> -> memref<128x64xf32, #tpu.memory_space<vmem>>
        %dma_start3A_527 = arith.constant 0 : i32
        %dma_start3A_528 = tpu.memref_slice %arg5[%add3A_521, %dma_start3A_527] : memref<200x128xi32, #tpu.memory_space<vmem>> -> memref<1x128xi32, #tpu.memory_space<vmem>>
        %dma_start3A_529 = tpu.memref_squeeze %dma_start3A_528 : memref<1x128xi32, #tpu.memory_space<vmem>> -> memref<128xi32, #tpu.memory_space<vmem>>
        %dma_start3A_530 = arith.constant 0 : i32
        %dma_start3A_531 = arith.constant 0 : i32
        %dma_start3A_532 = tpu.memref_slice %arg3[%dma_start3A_530, %dma_start3A_531] : memref<1001472x64xf32, #tpu.memory_space<hbm>> -> memref<1001472x64xf32, #tpu.memory_space<hbm>>
        tpu.enqueue_indirect_dma source(%dma_start3A_532 : memref<1001472x64xf32, #tpu.memory_space<hbm>>) target(%dma_start3A_526 : memref<128x64xf32, #tpu.memory_space<vmem>>) offsets(%dma_start3A_529 : memref<128xi32, #tpu.memory_space<vmem>>) semaphore(%arg11 : memref<!tpu.dma_semaphore, #tpu.memory_space<semaphore_mem>>)
      } else {
      }
      %dma_wait3A_456 = arith.constant 5 : i32
      %dma_wait3A_457 = arith.constant 0 : i32
      %dma_wait3A_458 = arith.constant 0 : i32
      %dma_wait3A_459 = tpu.memref_slice %arg6[%dma_wait3A_456, %dma_wait3A_457, %dma_wait3A_458] : memref<8x128x64xf32, #tpu.memory_space<vmem>> -> memref<1x128x64xf32, #tpu.memory_space<vmem>>
      %dma_wait3A_460 = tpu.memref_squeeze %dma_wait3A_459 : memref<1x128x64xf32, #tpu.memory_space<vmem>> -> memref<128x64xf32, #tpu.memory_space<vmem>>
      %dma_wait3A_461 = arith.constant 0 : i32
      %dma_wait3A_462 = arith.constant 0 : i32
      %dma_wait3A_463 = tpu.memref_slice %arg4[%dma_wait3A_461, %dma_wait3A_462] : memref<819200x64xf32, #tpu.memory_space<hbm>> -> memref<128x64xf32, #tpu.memory_space<hbm>>
      %dma_wait3A_464 = arith.constant 0 : i32
      %dma_wait3A_465 = arith.constant 0 : i32
      %dma_wait3A_466 = tpu.memref_slice %arg4[%dma_wait3A_464, %dma_wait3A_465] : memref<819200x64xf32, #tpu.memory_space<hbm>> -> memref<128x64xf32, #tpu.memory_space<hbm>>
      %dma_wait3A_467 = arith.constant 0 : i32
      %dma_wait3A_468 = arith.constant 0 : i32
      %dma_wait3A_469 = tpu.memref_slice %arg6[%dma_wait3A_456, %dma_wait3A_467, %dma_wait3A_468] : memref<8x128x64xf32, #tpu.memory_space<vmem>> -> memref<1x128x64xf32, #tpu.memory_space<vmem>>
      %dma_wait3A_470 = tpu.memref_squeeze %dma_wait3A_469 : memref<1x128x64xf32, #tpu.memory_space<vmem>> -> memref<128x64xf32, #tpu.memory_space<vmem>>
      tpu.wait_dma2 semaphore(%arg20 : memref<!tpu.dma_semaphore, #tpu.memory_space<semaphore_mem>>) src(%dma_wait3A_470 : memref<128x64xf32, #tpu.memory_space<vmem>>) dst(%dma_wait3A_466 : memref<128x64xf32, #tpu.memory_space<hbm>>)
      %lt3A_471 = arith.constant 24 : i32
      %lt3A_472 = arith.cmpi slt, %scan3A_103, %lt3A_471 : i32
      %convert_element_type3A_473 = arith.extui %lt3A_472 : i1 to i32
      %cond3A_474 = arith.constant 0 : i32
      %cond3A_475 = arith.cmpi ne, %convert_element_type3A_473, %cond3A_474 : i32
      scf.if %cond3A_475 {
        %add3A_516 = arith.constant 1 : i32
        %add3A_517 = arith.addi %scan3A_103, %add3A_516 : i32
        %mul3A_518 = arith.constant 8 : i32
        %mul3A_519 = arith.muli %add3A_517, %mul3A_518 : i32
        %add3A_520 = arith.constant 5 : i32
        %add3A_521 = arith.addi %mul3A_519, %add3A_520 : i32
        %dma_start3A_522 = arith.constant 5 : i32
        %dma_start3A_523 = arith.constant 0 : i32
        %dma_start3A_524 = arith.constant 0 : i32
        %dma_start3A_525 = tpu.memref_slice %arg6[%dma_start3A_522, %dma_start3A_523, %dma_start3A_524] : memref<8x128x64xf32, #tpu.memory_space<vmem>> -> memref<1x128x64xf32, #tpu.memory_space<vmem>>
        %dma_start3A_526 = tpu.memref_squeeze %dma_start3A_525 : memref<1x128x64xf32, #tpu.memory_space<vmem>> -> memref<128x64xf32, #tpu.memory_space<vmem>>
        %dma_start3A_527 = arith.constant 0 : i32
        %dma_start3A_528 = tpu.memref_slice %arg5[%add3A_521, %dma_start3A_527] : memref<200x128xi32, #tpu.memory_space<vmem>> -> memref<1x128xi32, #tpu.memory_space<vmem>>
        %dma_start3A_529 = tpu.memref_squeeze %dma_start3A_528 : memref<1x128xi32, #tpu.memory_space<vmem>> -> memref<128xi32, #tpu.memory_space<vmem>>
        %dma_start3A_530 = arith.constant 0 : i32
        %dma_start3A_531 = arith.constant 0 : i32
        %dma_start3A_532 = tpu.memref_slice %arg3[%dma_start3A_530, %dma_start3A_531] : memref<1001472x64xf32, #tpu.memory_space<hbm>> -> memref<1001472x64xf32, #tpu.memory_space<hbm>>
        tpu.enqueue_indirect_dma source(%dma_start3A_532 : memref<1001472x64xf32, #tpu.memory_space<hbm>>) target(%dma_start3A_526 : memref<128x64xf32, #tpu.memory_space<vmem>>) offsets(%dma_start3A_529 : memref<128xi32, #tpu.memory_space<vmem>>) semaphore(%arg12 : memref<!tpu.dma_semaphore, #tpu.memory_space<semaphore_mem>>)
      } else {
      }
      %dma_wait3A_476 = arith.constant 6 : i32
      %dma_wait3A_477 = arith.constant 0 : i32
      %dma_wait3A_478 = arith.constant 0 : i32
      %dma_wait3A_479 = tpu.memref_slice %arg6[%dma_wait3A_476, %dma_wait3A_477, %dma_wait3A_478] : memref<8x128x64xf32, #tpu.memory_space<vmem>> -> memref<1x128x64xf32, #tpu.memory_space<vmem>>
      %dma_wait3A_480 = tpu.memref_squeeze %dma_wait3A_479 : memref<1x128x64xf32, #tpu.memory_space<vmem>> -> memref<128x64xf32, #tpu.memory_space<vmem>>
      %dma_wait3A_481 = arith.constant 0 : i32
      %dma_wait3A_482 = arith.constant 0 : i32
      %dma_wait3A_483 = tpu.memref_slice %arg4[%dma_wait3A_481, %dma_wait3A_482] : memref<819200x64xf32, #tpu.memory_space<hbm>> -> memref<128x64xf32, #tpu.memory_space<hbm>>
      %dma_wait3A_484 = arith.constant 0 : i32
      %dma_wait3A_485 = arith.constant 0 : i32
      %dma_wait3A_486 = tpu.memref_slice %arg4[%dma_wait3A_484, %dma_wait3A_485] : memref<819200x64xf32, #tpu.memory_space<hbm>> -> memref<128x64xf32, #tpu.memory_space<hbm>>
      %dma_wait3A_487 = arith.constant 0 : i32
      %dma_wait3A_488 = arith.constant 0 : i32
      %dma_wait3A_489 = tpu.memref_slice %arg6[%dma_wait3A_476, %dma_wait3A_487, %dma_wait3A_488] : memref<8x128x64xf32, #tpu.memory_space<vmem>> -> memref<1x128x64xf32, #tpu.memory_space<vmem>>
      %dma_wait3A_490 = tpu.memref_squeeze %dma_wait3A_489 : memref<1x128x64xf32, #tpu.memory_space<vmem>> -> memref<128x64xf32, #tpu.memory_space<vmem>>
      tpu.wait_dma2 semaphore(%arg21 : memref<!tpu.dma_semaphore, #tpu.memory_space<semaphore_mem>>) src(%dma_wait3A_490 : memref<128x64xf32, #tpu.memory_space<vmem>>) dst(%dma_wait3A_486 : memref<128x64xf32, #tpu.memory_space<hbm>>)
      %lt3A_491 = arith.constant 24 : i32
      %lt3A_492 = arith.cmpi slt, %scan3A_103, %lt3A_491 : i32
      %convert_element_type3A_493 = arith.extui %lt3A_492 : i1 to i32
      %cond3A_494 = arith.constant 0 : i32
      %cond3A_495 = arith.cmpi ne, %convert_element_type3A_493, %cond3A_494 : i32
      scf.if %cond3A_495 {
        %add3A_516 = arith.constant 1 : i32
        %add3A_517 = arith.addi %scan3A_103, %add3A_516 : i32
        %mul3A_518 = arith.constant 8 : i32
        %mul3A_519 = arith.muli %add3A_517, %mul3A_518 : i32
        %add3A_520 = arith.constant 6 : i32
        %add3A_521 = arith.addi %mul3A_519, %add3A_520 : i32
        %dma_start3A_522 = arith.constant 6 : i32
        %dma_start3A_523 = arith.constant 0 : i32
        %dma_start3A_524 = arith.constant 0 : i32
        %dma_start3A_525 = tpu.memref_slice %arg6[%dma_start3A_522, %dma_start3A_523, %dma_start3A_524] : memref<8x128x64xf32, #tpu.memory_space<vmem>> -> memref<1x128x64xf32, #tpu.memory_space<vmem>>
        %dma_start3A_526 = tpu.memref_squeeze %dma_start3A_525 : memref<1x128x64xf32, #tpu.memory_space<vmem>> -> memref<128x64xf32, #tpu.memory_space<vmem>>
        %dma_start3A_527 = arith.constant 0 : i32
        %dma_start3A_528 = tpu.memref_slice %arg5[%add3A_521, %dma_start3A_527] : memref<200x128xi32, #tpu.memory_space<vmem>> -> memref<1x128xi32, #tpu.memory_space<vmem>>
        %dma_start3A_529 = tpu.memref_squeeze %dma_start3A_528 : memref<1x128xi32, #tpu.memory_space<vmem>> -> memref<128xi32, #tpu.memory_space<vmem>>
        %dma_start3A_530 = arith.constant 0 : i32
        %dma_start3A_531 = arith.constant 0 : i32
        %dma_start3A_532 = tpu.memref_slice %arg3[%dma_start3A_530, %dma_start3A_531] : memref<1001472x64xf32, #tpu.memory_space<hbm>> -> memref<1001472x64xf32, #tpu.memory_space<hbm>>
        tpu.enqueue_indirect_dma source(%dma_start3A_532 : memref<1001472x64xf32, #tpu.memory_space<hbm>>) target(%dma_start3A_526 : memref<128x64xf32, #tpu.memory_space<vmem>>) offsets(%dma_start3A_529 : memref<128xi32, #tpu.memory_space<vmem>>) semaphore(%arg13 : memref<!tpu.dma_semaphore, #tpu.memory_space<semaphore_mem>>)
      } else {
      }
      %dma_wait3A_496 = arith.constant 7 : i32
      %dma_wait3A_497 = arith.constant 0 : i32
      %dma_wait3A_498 = arith.constant 0 : i32
      %dma_wait3A_499 = tpu.memref_slice %arg6[%dma_wait3A_496, %dma_wait3A_497, %dma_wait3A_498] : memref<8x128x64xf32, #tpu.memory_space<vmem>> -> memref<1x128x64xf32, #tpu.memory_space<vmem>>
      %dma_wait3A_500 = tpu.memref_squeeze %dma_wait3A_499 : memref<1x128x64xf32, #tpu.memory_space<vmem>> -> memref<128x64xf32, #tpu.memory_space<vmem>>
      %dma_wait3A_501 = arith.constant 0 : i32
      %dma_wait3A_502 = arith.constant 0 : i32
      %dma_wait3A_503 = tpu.memref_slice %arg4[%dma_wait3A_501, %dma_wait3A_502] : memref<819200x64xf32, #tpu.memory_space<hbm>> -> memref<128x64xf32, #tpu.memory_space<hbm>>
      %dma_wait3A_504 = arith.constant 0 : i32
      %dma_wait3A_505 = arith.constant 0 : i32
      %dma_wait3A_506 = tpu.memref_slice %arg4[%dma_wait3A_504, %dma_wait3A_505] : memref<819200x64xf32, #tpu.memory_space<hbm>> -> memref<128x64xf32, #tpu.memory_space<hbm>>
      %dma_wait3A_507 = arith.constant 0 : i32
      %dma_wait3A_508 = arith.constant 0 : i32
      %dma_wait3A_509 = tpu.memref_slice %arg6[%dma_wait3A_496, %dma_wait3A_507, %dma_wait3A_508] : memref<8x128x64xf32, #tpu.memory_space<vmem>> -> memref<1x128x64xf32, #tpu.memory_space<vmem>>
      %dma_wait3A_510 = tpu.memref_squeeze %dma_wait3A_509 : memref<1x128x64xf32, #tpu.memory_space<vmem>> -> memref<128x64xf32, #tpu.memory_space<vmem>>
      tpu.wait_dma2 semaphore(%arg22 : memref<!tpu.dma_semaphore, #tpu.memory_space<semaphore_mem>>) src(%dma_wait3A_510 : memref<128x64xf32, #tpu.memory_space<vmem>>) dst(%dma_wait3A_506 : memref<128x64xf32, #tpu.memory_space<hbm>>)
      %lt3A_511 = arith.constant 24 : i32
      %lt3A_512 = arith.cmpi slt, %scan3A_103, %lt3A_511 : i32
      %convert_element_type3A_513 = arith.extui %lt3A_512 : i1 to i32
      %cond3A_514 = arith.constant 0 : i32
      %cond3A_515 = arith.cmpi ne, %convert_element_type3A_513, %cond3A_514 : i32
      scf.if %cond3A_515 {
        %add3A_516 = arith.constant 1 : i32
        %add3A_517 = arith.addi %scan3A_103, %add3A_516 : i32
        %mul3A_518 = arith.constant 8 : i32
        %mul3A_519 = arith.muli %add3A_517, %mul3A_518 : i32
        %add3A_520 = arith.constant 7 : i32
        %add3A_521 = arith.addi %mul3A_519, %add3A_520 : i32
        %dma_start3A_522 = arith.constant 7 : i32
        %dma_start3A_523 = arith.constant 0 : i32
        %dma_start3A_524 = arith.constant 0 : i32
        %dma_start3A_525 = tpu.memref_slice %arg6[%dma_start3A_522, %dma_start3A_523, %dma_start3A_524] : memref<8x128x64xf32, #tpu.memory_space<vmem>> -> memref<1x128x64xf32, #tpu.memory_space<vmem>>
        %dma_start3A_526 = tpu.memref_squeeze %dma_start3A_525 : memref<1x128x64xf32, #tpu.memory_space<vmem>> -> memref<128x64xf32, #tpu.memory_space<vmem>>
        %dma_start3A_527 = arith.constant 0 : i32
        %dma_start3A_528 = tpu.memref_slice %arg5[%add3A_521, %dma_start3A_527] : memref<200x128xi32, #tpu.memory_space<vmem>> -> memref<1x128xi32, #tpu.memory_space<vmem>>
        %dma_start3A_529 = tpu.memref_squeeze %dma_start3A_528 : memref<1x128xi32, #tpu.memory_space<vmem>> -> memref<128xi32, #tpu.memory_space<vmem>>
        %dma_start3A_530 = arith.constant 0 : i32
        %dma_start3A_531 = arith.constant 0 : i32
        %dma_start3A_532 = tpu.memref_slice %arg3[%dma_start3A_530, %dma_start3A_531] : memref<1001472x64xf32, #tpu.memory_space<hbm>> -> memref<1001472x64xf32, #tpu.memory_space<hbm>>
        tpu.enqueue_indirect_dma source(%dma_start3A_532 : memref<1001472x64xf32, #tpu.memory_space<hbm>>) target(%dma_start3A_526 : memref<128x64xf32, #tpu.memory_space<vmem>>) offsets(%dma_start3A_529 : memref<128xi32, #tpu.memory_space<vmem>>) semaphore(%arg14 : memref<!tpu.dma_semaphore, #tpu.memory_space<semaphore_mem>>)
      } else {
      }
    }
    %scan3A_102 = arith.constant 25 : i32
    return
  }
}

module attributes {stable_mosaic.version = 14 : i64} {
  func.func @_table_body(%arg0: i32, %arg1: memref<64x1024xf32, #tpu.memory_space<vmem>>, %arg2: memref<64x1024xf32, #tpu.memory_space<vmem>>, %arg3: memref<1024x128xf32, #tpu.memory_space<vmem>>) attributes {dimension_semantics = [#tpu.dimension_semantics<arbitrary>], iteration_bounds = array<i64: 489>, scalar_prefetch = 0 : i64, scratch_operands = 0 : i64, tpu.core_type = #tpu.core_type<tc>, window_params = [{transform_indices = @transform_0, window_bounds = array<i64: 64, 1024>}, {transform_indices = @transform_1, window_bounds = array<i64: 64, 1024>}, {transform_indices = @transform_2, window_bounds = array<i64: 1024, 128>}]} {
    %get3A = arith.constant 0 : index
    %get3A_0 = arith.constant 0 : index
    %get3A_1 = vector.load %arg1[%get3A, %get3A_0] : memref<64x1024xf32, #tpu.memory_space<vmem>>, vector<64x1024xf32>
    %get3A_2 = arith.constant 0 : index
    %get3A_3 = arith.constant 0 : index
    %get3A_4 = vector.load %arg2[%get3A_2, %get3A_3] : memref<64x1024xf32, #tpu.memory_space<vmem>>, vector<64x1024xf32>
    %concatenate3A = tpu.concatenate %get3A_1, %get3A_4 in 0 : vector<64x1024xf32>, vector<64x1024xf32> -> vector<128x1024xf32>
    %iota3A = tpu.iota {dimensions = array<i32: 0>} : vector<128x128xi32>
    %iota3A_5 = tpu.iota {dimensions = array<i32: 1>} : vector<128x128xi32>
    %eq3A = arith.cmpi eq, %iota3A, %iota3A_5 : vector<128x128xi32>
    %convert_element_type3A = arith.extui %eq3A : vector<128x128xi1> to vector<128x128xi32>
    %convert_element_type3A_6 = arith.sitofp %convert_element_type3A : vector<128x128xi32> to vector<128x128xf32>
    %dot_general3A = arith.constant dense<0.000000e+00> : vector<1024x128xf32>
    %dot_general3A_7 = tpu.matmul %concatenate3A, %convert_element_type3A_6, %dot_general3A {dimension_numbers = #tpu.dot_dimension_numbers<[0], [0], [1], [1], [0, 1, 1, 1], [], []>, transpose_lhs_hint = false} : vector<128x1024xf32>, vector<128x128xf32>, vector<1024x128xf32> -> vector<1024x128xf32>
    %swap3A = arith.constant 0 : index
    %swap3A_8 = arith.constant 0 : index
    %swap3A_9 = vector.load %arg3[%swap3A, %swap3A_8] : memref<1024x128xf32, #tpu.memory_space<vmem>>, vector<1024x128xf32>
    tpu.vector_store %arg3[%swap3A, %swap3A_8], %dot_general3A_7 {strides = array<i32>} : memref<1024x128xf32, #tpu.memory_space<vmem>>, vector<1024x128xf32>,
    return
  }
  func.func @transform_0(%arg0: i32) -> (i32, i32) {
    %mul3A = arith.constant 2 : i32
    %mul3A_0 = arith.muli %mul3A, %arg0 : i32
    %c0_i32 = arith.constant 0 : i32
    %c0_i32_1 = arith.constant 0 : i32
    return %c0_i32, %mul3A_0 : i32, i32
  }
  func.func @transform_1(%arg0: i32) -> (i32, i32) {
    %mul3A = arith.constant 2 : i32
    %mul3A_0 = arith.muli %mul3A, %arg0 : i32
    %add3A = arith.constant 1 : i32
    %add3A_1 = arith.addi %mul3A_0, %add3A : i32
    %min3A = arith.constant 976 : i32
    %min3A_2 = arith.minsi %add3A_1, %min3A : i32
    %c0_i32 = arith.constant 0 : i32
    %c0_i32_3 = arith.constant 0 : i32
    return %c0_i32, %min3A_2 : i32, i32
  }
  func.func @transform_2(%arg0: i32) -> (i32, i32) {
    %c0_i32 = arith.constant 0 : i32
    %c0_i32_0 = arith.constant 0 : i32
    return %arg0, %c0_i32 : i32, i32
  }
}

module attributes {stable_mosaic.version = 14 : i64} {
  func.func @_out_body(%arg0: i32, %arg1: memref<12800x128xf32, #tpu.memory_space<vmem>>, %arg2: memref<200x8x1x8x128xf32, #tpu.memory_space<vmem>>) attributes {dimension_semantics = [#tpu.dimension_semantics<arbitrary>], iteration_bounds = array<i64: 32>, scalar_prefetch = 0 : i64, scratch_operands = 0 : i64, tpu.core_type = #tpu.core_type<tc>, window_params = [{transform_indices = @transform_0, window_bounds = array<i64: 12800, 128>}, {transform_indices = @transform_1, window_bounds = array<i64: 200, 8, 1, 8, 128>}]} {
    %get3A = arith.constant 0 : index
    %get3A_0 = arith.constant 0 : index
    %get3A_1 = vector.load %arg1[%get3A, %get3A_0] : memref<12800x128xf32, #tpu.memory_space<vmem>>, vector<12800x128xf32>
    %reshape3A = vector.shape_cast %get3A_1 : vector<12800x128xf32> to vector<128x100x128xf32>
    %iota3A = tpu.iota {dimensions = array<i32: 0>} : vector<128x128xi32>
    %iota3A_2 = tpu.iota {dimensions = array<i32: 1>} : vector<128x128xi32>
    %eq3A = arith.cmpi eq, %iota3A, %iota3A_2 : vector<128x128xi32>
    %convert_element_type3A = arith.extui %eq3A : vector<128x128xi1> to vector<128x128xi32>
    %convert_element_type3A_3 = arith.sitofp %convert_element_type3A : vector<128x128xi32> to vector<128x128xf32>
    %dot_general3A = arith.constant dense<0.000000e+00> : vector<100x128x128xf32>
    %dot_general3A_4 = tpu.matmul %reshape3A, %convert_element_type3A_3, %dot_general3A {dimension_numbers = #tpu.dot_dimension_numbers<[0], [0], [1, 2], [1], [0, 1, 0, 2, 1, 1], [], []>, transpose_lhs_hint = false} : vector<128x100x128xf32>, vector<128x128xf32>, vector<100x128x128xf32> -> vector<100x128x128xf32>
    %reshape3A_5 = vector.shape_cast %dot_general3A_4 : vector<100x128x128xf32> to vector<200x8x1x8x128xf32>
    %swap3A = arith.constant 0 : index
    %swap3A_6 = arith.constant 0 : index
    %swap3A_7 = arith.constant 0 : index
    %swap3A_8 = arith.constant 0 : index
    %swap3A_9 = arith.constant 0 : index
    %swap3A_10 = vector.load %arg2[%swap3A, %swap3A_6, %swap3A_7, %swap3A_8, %swap3A_9] : memref<200x8x1x8x128xf32, #tpu.memory_space<vmem>>, vector<200x8x1x8x128xf32>
    tpu.vector_store %arg2[%swap3A, %swap3A_6, %swap3A_7, %swap3A_8, %swap3A_9], %reshape3A_5 {strides = array<i32>} : memref<200x8x1x8x128xf32, #tpu.memory_space<vmem>>, vector<200x8x1x8x128xf32>,
    return
  }
  func.func @transform_0(%arg0: i32) -> (i32, i32) {
    %c0_i32 = arith.constant 0 : i32
    %c0_i32_0 = arith.constant 0 : i32
    return %arg0, %c0_i32 : i32, i32
  }
  func.func @transform_1(%arg0: i32) -> (i32, i32, i32, i32, i32) {
    %c0_i32 = arith.constant 0 : i32
    %c0_i32_0 = arith.constant 0 : i32
    %c0_i32_1 = arith.constant 0 : i32
    %c0_i32_2 = arith.constant 0 : i32
    %c0_i32_3 = arith.constant 0 : i32
    return %c0_i32, %c0_i32_0, %arg0, %c0_i32_1, %c0_i32_2 : i32, i32, i32, i32, i32
  }
}

</mosaic_0001>

<sc_bundles>
// kernel: kernel.5.cloned.1.call-start
scs
__scs_entry_jumppad:
0x0: {  	(pc) =	sbr.rel $0x88, $3  }
0x1: {  	(tag) =	ssettag $0x0;
	lr =	simm.s32 $0x1  }
0x2: {  	[smem:$0x3F9F] =	sst lr;
	_ =	strace $0xD0000000  }
0x3: {  	_ = 	snop  }
0x4: {  	_ = 	snop  }
0x5: {  	_ = 	snop  }
0x6: {  	_ = 	snop  }
0x7: {  	_ = 	snop  }
__scs_overlays_trampoline_lowered:
0x8: {  	[smem:$0x3FAE] =	sst s0  }
0x9: {  	[smem:$0x3FAF] =	sst s1  }
0xa: {  	[smem:$0x3FB0] =	sst s2  }
0xb: {  	[smem:$0x3FB1] =	sst s3  }
0xc: {  	[smem:$0x3FB2] =	sst s4  }
0xd: {  	[smem:$0x3FB3] =	sst s5  }
0xe: {  	[smem:$0x3FB4] =	sst s6  }
0xf: {  	[smem:$0x3FB5] =	sst s7  }
0x10: {  	[smem:$0x3FB6] =	sst s8  }
0x11: {  	[smem:$0x3FB7] =	sst s9;
	s0 =	simm.s32 @!p0 $0x0  }
0x12: {  	s1 =	sld [smem:$0x3F9D];
	s0 =	simm.s32 @p0 $0x1  }
0x13: {  	[smem:$0x3FB8] =	sst s0;
	s0 =	simm.s32 @!p1 $0x0  }
0x14: {  	s2 =	sld [smem:$0x3F9C];
	s0 =	simm.s32 @p1 $0x1  }
0x15: {  	[smem:$0x3FB9] =	sst s0;
	s0 =	simm.s32 @!p2 $0x0  }
0x16: {  	s3 =	sld [smem:$0x3FDB];
	s0 =	simm.s32 @p2 $0x1  }
0x17: {  	s4 =	simm.s32 $0x1BF5;
	[smem:$0x3FBB] =	sst s0  }
0x18: {  	s0 =	sld [smem:$0x3F9E];
	_ =	swait.ge [sflag:s4], $0x0  }
0x19: {  	s7 =	sld [smem:$0x3F9F]  }
0x1a: {  	s8 =	sadd.s32 $0xFFFFE003, lr  }
0x1b: {  	s9 =	sadd.s32 $0xFFFFFEF7, lr;
	s5 =	simm.s32 $0xFFFFFFFF;
	p2 =	slt.u32 s8, $0xFFFFF086  }
0x1c: {  	p1 =	slt.u32 s9, $0xF7A;
	s5 =	simm.s32 @!p2 $0x0  }
0x1d: {  	s5 =	simm.s32 @p1 $0x1;
	p0 =	seq.s32 s7, s2  }
0x1e: {  	s7 =	smul.u32 @!p0 $0xF7A, s2;
	p2 =	seq.s32 @!p0 s5, $0x0  }
0x1f: {  	s9 =	smul.u32 $0xF7A, s1;
	s8 =	simm.s32 @!p0 $0x1BF5;
	p2 =	por !p2, p0  }
0x20: {  	[sflag:s8] =	ssyncset.s32 @!p0 $0xFFFFF086;
	s6 =	sadd.s32 @!p0 s3, s7;
	s7 =	simm.s32 @!p0 $0x108  }
0x21: {  	s3 =	sadd.s32 s3, s9;
	s6 =	sadd.s32 @!p0 $0x88, s6;
	s7 =	simm.s32 @p2 $0x1082  }
0x22: {  	[simem:s7], [sflag:s8] =	dma.local @!p0 [hbm:s6], $0xF7A  }
0x23: {  	s9 =	sor.u32 $0xD0000000, s2;
	s6 =	simm.s32 $0x108;
	_ =	swait.ge @!p0 [sflag:s8], $0x0  }
0x24: {  	s3 =	sadd.s32 $0x88, s3;
	s6 =	simm.s32 @!p1 $0x1082;
	[sflag:s4] =	ssyncset.s32 $0xFFFFF086  }
0x25: {  	[simem:s6], [sflag:s4] =	dma.local [hbm:s3], $0xF7A  }
0x26: {  	[smem:$0x3F9F] =	sst s1;
	(tag) =	ssettag s2;
	_ =	strace s9  }
0x27: {  	s1 =	sld [smem:$0x3FAF]  }
0x28: {  	s2 =	sld [smem:$0x3FB0]  }
0x29: {  	s4 =	sld [smem:$0x3FB2]  }
0x2a: {  	p0 =	seq.s32 s5, $0x0;
	s5 =	sld [smem:$0x3FB3]  }
0x2b: {  	s6 =	sld [smem:$0x3FB4]  }
0x2c: {  	s7 =	sld [smem:$0x3FB5]  }
0x2d: {  	s3 =	simm.s32 $0x108;
	s8 =	sld [smem:$0x3FB6]  }
0x2e: {  	s3 =	simm.s32 @!p0 $0x1082;
	s9 =	sld [smem:$0x3FB7]  }
0x2f: {  	lr =	sadd.s32 s0, s3;
	s0 =	sld [smem:$0x3FAE]  }
0x30: {  	s3 =	sld [smem:$0x3FB1]  }
0x31: {  	[smem:$0x3FBA] =	sst s10  }
0x32: {  	s10 =	sld [smem:$0x3FB8];
	_ =	sdelay $0x3  }
0x33: {  	p0 =	seq.s32 s10, $0x1;
	s10 =	sld [smem:$0x3FBA];
	_ =	sdelay $0x3  }
0x34: {  	[smem:$0x3FBA] =	sst s10  }
0x35: {  	s10 =	sld [smem:$0x3FB9];
	_ =	sdelay $0x3  }
0x36: {  	p1 =	seq.s32 s10, $0x1;
	s10 =	sld [smem:$0x3FBA];
	_ =	sdelay $0x3  }
0x37: {  	[smem:$0x3FBA] =	sst s10  }
0x38: {  	s10 =	sld [smem:$0x3FBB]  }
0x39: {  	_ = 	snop;
	(pc) =	sbr.ind lr, $3  }
0x3a: {  	_ = 	snop  }
0x3b: {  	_ = 	snop  }
0x3c: {  	p2 =	seq.s32 s10, $0x1;
	s10 =	sld [smem:$0x3FBA]  }
0x3d: {  	_ =	shalt  }
0x3e: {  	_ =	shalt  }
0x3f: {  	_ =	shalt  }
0x40: {  	_ =	shalt  }
0x41: {  	_ =	shalt  }
0x42: {  	_ =	shalt  }
0x43: {  	_ =	shalt  }
0x44: {  	_ =	shalt  }
0x45: {  	_ =	shalt  }
0x46: {  	_ =	shalt  }
0x47: {  	_ =	shalt  }
0x48: {  	_ =	shalt  }
0x49: {  	_ =	shalt  }
0x4a: {  	_ =	shalt  }
0x4b: {  	_ =	shalt  }
0x4c: {  	_ =	shalt  }
0x4d: {  	_ =	shalt  }
0x4e: {  	_ =	shalt  }
0x4f: {  	_ =	shalt  }
0x50: {  	_ =	shalt  }
0x51: {  	_ =	shalt  }
0x52: {  	_ =	shalt  }
0x53: {  	_ =	shalt  }
0x54: {  	_ =	shalt  }
0x55: {  	_ =	shalt  }
0x56: {  	_ =	shalt  }
0x57: {  	_ =	shalt  }
0x58: {  	_ =	shalt  }
0x59: {  	_ =	shalt  }
0x5a: {  	_ =	shalt  }
0x5b: {  	_ =	shalt  }
0x5c: {  	_ =	shalt  }
0x5d: {  	_ =	shalt  }
0x5e: {  	_ =	shalt  }
0x5f: {  	_ =	shalt  }
0x60: {  	_ =	shalt  }
0x61: {  	_ =	shalt  }
0x62: {  	_ =	shalt  }
0x63: {  	_ =	shalt  }
0x64: {  	_ =	shalt  }
0x65: {  	_ =	shalt  }
0x66: {  	_ =	shalt  }
0x67: {  	_ =	shalt  }
0x68: {  	_ =	shalt  }
0x69: {  	_ =	shalt  }
0x6a: {  	_ =	shalt  }
0x6b: {  	_ =	shalt  }
0x6c: {  	_ =	shalt  }
0x6d: {  	_ =	shalt  }
0x6e: {  	_ =	shalt  }
0x6f: {  	_ =	shalt  }
0x70: {  	_ =	shalt  }
0x71: {  	_ =	shalt  }
0x72: {  	_ =	shalt  }
0x73: {  	_ =	shalt  }
0x74: {  	_ =	shalt  }
0x75: {  	_ =	shalt  }
0x76: {  	_ =	shalt  }
0x77: {  	_ =	shalt  }
0x78: {  	_ =	shalt  }
0x79: {  	_ =	shalt  }
0x7a: {  	_ =	shalt  }
0x7b: {  	_ =	shalt  }
0x7c: {  	_ =	shalt  }
0x7d: {  	_ =	shalt  }
0x7e: {  	_ =	shalt  }
0x7f: {  	_ =	shalt  }
0x80: {  	_ =	shalt  }
0x81: {  	_ =	shalt  }
0x82: {  	_ =	shalt  }
0x83: {  	_ =	shalt  }
0x84: {  	_ =	shalt  }
0x85: {  	_ =	shalt  }
0x86: {  	_ =	shalt  }
0x87: {  	_ =	shalt  }
.Lfunc_end0:
.L_simem_size_0:
called_computation_lowered:
.L_overlay_start_0:
0x88: {  	s2 =	sld [smem:$0x3FD9]  }
0x89: {  	s3 =	sld [smem:$0x3FFE];
	_ =	sdelay $0x1  }
0x8a: {  	s1 =	srdreg.scid  }
0x8b: {  	s0 =	sand.u32 $0x1, s1  }
0x8c: {  	s17 =	sshll.u32 s0, $0xA;
	s2 =	sadd.s32 s3, s2  }
0x8d: {  	s2 =	sadd.s32 s2, s17  }
0x8e: {  	[smem:$0x3FC6] =	sst s2  }
0x8f: {  	_ = 	snop  }
0x90: {  	s2 =	sld [smem:$0x3FD0];
	(tm) =	ssettm $0x1  }
0x91: {  	s18 =	sld [smem:$0x3FFB];
	_ =	sdelay $0x3  }
0x92: {  	_ =	strace s18  }
0x93: {  	s3 =	sld [smem:$0x3FFC];
	_ =	sdelay $0x3  }
0x94: {  	_ =	strace s3  }
0x95: {  	s3 =	sld [smem:$0x3FFD];
	_ =	sdelay $0x3  }
0x96: {  	_ =	strace s3  }
0x97: {  	_ =	strace $0x8FFFFFFF  }
0x98: {  	s19 =	sld [smem:$0x3FDB];
	_ =	sdelay $0x1  }
0x99: {  	s4 =	simm.s32 $_scs_section_size  }
0x9a: {  	s5 =	simm.s32 $_size__tile_overlayer_lowered;
	s6 =	simm.s32 $_tile_overlayer_lowered  }
0x9b: {  	s22 =	simm.s32 $0x1BFF;
	s21 =	sshll.u32 s6, $0x1;
	s3 =	sadd.s32 s4, s19  }
0x9c: {  	s7 =	simm.s32 $0x0;
	s20 =	sshll.u32 s5, $0x1;
	s5 =	sadd.s32 s21, s3  }
0x9d: {  	[timem:s7], [sflag:s22] =	dma.local [hbm:s5], s20  }
0x9e: {  	_ =	swait.ge [sflag:s22], s20  }
0x9f: {  	s4 =	ssub.s32 $0x0, s20;
	[sflag:s22] =	ssyncset.done $0x0  }
0xa0: {  	[sflag:s22] =	ssyncadd.s32 s4;
	_ =	sdelay $0x1  }
0xa1: {  	s23 =	simm.s32 $0x1B8B  }
0xa2: {  	_ =	swait.ge [sflag:s23], $0x1  }
0xa3: {  	[sflag:s23] =	ssyncset.done $0x0  }
0xa4: {  	s25 =	simm.s32 $0x1B8E;
	s24 =	sld [smem:$0x3FFE];
	[sflag:s23] =	ssyncadd.s32 $0xFFFFFFFF  }
0xa5: {  	s26 =	simm.s32 $execute0_lowered;
	[smem:$0x3FD2] =	sst s25  }
0xa6: {  	s5 =	sshll.u32 s26, $0x1;
	_ =	strace $0x80000046;
	[dreg:$0x1] =	wrdreg $0xFFFFFFFF  }
0xa7: {  	s28 =	simm.s32 $_size_execute0_lowered;
	s3 =	sadd.s32 s3, s5;
	[dreg:$0x0] =	wrdreg $0x0  }
0xa8: {  	s5 =	sshll.u32 s28, $0x1;
	[dreg:$0x2] =	wrdreg s3  }
0xa9: {  	[dreg:$0x3] =	wrdreg s5  }
0xaa: {  	[dreg:$0x4] =	wrdreg $0xC0  }
0xab: {  	_ =	task [dreg:s7], $0x5FFFF  }
0xac: {  	[dreg:$0x1] =	wrdreg $0xFFFFFFFF  }
0xad: {  	[dreg:$0x0] =	wrdreg $0x60  }
0xae: {  	[dreg:$0x2] =	wrdreg s2  }
0xaf: {  	[dreg:$0x3] =	wrdreg s24  }
0xb0: {  	[dreg:$0x4] =	wrdreg $0x9  }
0xb1: {  	_ =	task.clear_ibuf [dreg:s7], $0x5FFFF;
	_ =	strace $0x90000046  }
0xb2: {  	s29 =	simm.s32 $0x9;
	_ =	strace $0x80000048  }
0xb3: {  	_ =	swait.ge [sflag:s29], $0x1  }
0xb4: {  	[sflag:s29] =	ssyncadd.s32 $0xFFFFFFFF  }
0xb5: {  	_ =	strace $0x90000048  }
0xb6: {  	_ =	sfence  }
0xb7: {  	s30 =	sld [smem:$0x0];
	_ =	sdelay $0x2  }
0xb8: {  	s31 =	sshll.u32 s1, $0xD;
	s1 =	sshrl.u32 s1, $0x2  }
0xb9: {  	s3 =	sand.u32 $0x4000, s31;
	s1 =	sadd.s32 s1, s30  }
0xba: {  	s0 =	sor.u32 s3, s0;
	s1 =	sshll.u32 s1, $0x11  }
0xbb: {  	s0 =	sor.u32 s1, s0  }
0xbc: {  	s0 =	sadd.s32 $0x8F2B, s0  }
0xbd: {  	[sflag:s0] =	ssyncadd.remote.s32 $0x1  }
0xbe: {  	_ =	sfence.sel $0xFFFF  }
0xbf: {  	[dreg:$0x0] =	wrdreg $0xFFFFFFFF;
	(pc) =	sbr.abs _section_cstart, $3  }
0xc0: {  	[dreg:$0x1] =	wrdreg $0xFFFFFFFF  }
0xc1: {  	_ =	task.clear_ibuf [dreg:s7], $0x2FFFF;
	_ =	strace $0x9FFFFFFF  }
0xc2: {  	(tm) =	ssettm $0x7FFFFFFF  }
0xc3: {  	_ =	shalt  }
tec
execute0_lowered:
.L_overlay_start_1:
0x0: {  	(tag) =	ssettag $0x1  }
0x1: {  	s0 =	rddreg [dreg:$0x0]  }
0x2: {  	s1 =	rddreg [dreg:$0x1];
	s2 =	simm.s32 $0x0  }
0x3: {  	s3 =	srdreg.scid;
	s9 =	stileid.u32;
	s13 =	simm.s32 $0x80  }
0x4: {  	s14 =	simm.s32 $0x6400;
	s15 =	simm.s32 $0x8400;
	s17 =	simm.s32 $0xA400  }
0x5: {  	s19 =	simm.s32 $0xC400;
	s28 =	simm.s32 $0x14400;
	s29 =	simm.s32 $0x1  }
0x6: {  	s30 =	simm.s32 $0x2;
	s31 =	simm.s32 $0x3;
	s16 =	simm.s32 $0x6  }
0x7: {  	s18 =	simm.s32 $0x7;
	s12 =	simm.s32 $0xF;
	[smem:$0x7FF] =	sst s2  }
0x8: {  	s4 =	sand.u32 $0x1, s3;
	s5 =	sshll.u32 s9, $0x1;
	s6 =	smul.u32 $0x190, s9  }
0x9: {  	s3 =	sadd.s32 $0x400, s1;
	s1 =	sadd.s32 $0x7A4400, s1;
	s21 =	smul.u32 $0x64000, s9  }
0xa: {  	s9 =	simm.s32 $0x0;
	_ =	strace $0x80000047;
	s7 =	smul.u32 $0xC8, s4  }
0xb: {  	s5 =	sor.u32 s4, s5;
	s20 =	ssub.s32 $0x2, s4;
	s4 =	smul.u32 $0x32000, s4  }
0xc: {  	[dreg:$0x3] =	wrdreg s1;
	s5 =	smul.u32 $0xC80, s5;
	s8 =	sshrl.u32 s20, $0x1  }
0xd: {  	s6 =	sadd.s32 s7, s6;
	s1 =	ssub.s32 s20, s8;
	s26 =	sadd.s32 s4, s21  }
0xe: {  	s21 =	simm.s32 $0xE400;
	s20 =	simm.s32 $0x8;
	s4 =	simm.s32 $0xC  }
0xf: {  	s7 =	simm.s32 $0xE;
	s0 =	sadd.s32 s0, s5;
	[dreg:$0xa] =	wrdreg s26  }
0x10: {  	s6 =	sshll.u32 s6, $0xA;
	s22 =	smax.u32 s1, $0x1;
	[dreg:$0x5] =	wrdreg s0  }
0x11: {  	s1 =	simm.s32 $0x5;
	s26 =	simm.s32 $0xB;
	[dreg:$0x6] =	wrdreg s22  }
.Ltmp0:
0x12: {  	s23 =	sor.u32 $0x1800, s6;
	[dreg:$0x4] =	wrdreg s6;
	(pc) =	sbr.rel .LBB2_1-.Ltmp0, $4  }
0x13: {  	s5 =	simm.s32 $0x10;
	s24 =	sor.u32 $0x1000, s6;
	[dreg:$0x7] =	wrdreg s23  }
0x14: {  	s25 =	sor.u32 $0x800, s6;
	s0 =	simm.s32 $0x4;
	[dreg:$0x8] =	wrdreg s24  }
0x15: {  	s22 =	simm.s32 $0x9;
	s6 =	simm.s32 $0xD;
	[dreg:$0x9] =	wrdreg s25  }
0x16: {  	s23 =	simm.s32 $0x10400;
	s25 =	simm.s32 $0x12400;
	s24 =	simm.s32 $0xA  }
.LBB2_4:
0x17: {  	_ =	swait.ge [sflag:s24], $0x2000  }
0x18: {  	[sflag:s24] =	ssyncset.done $0x0  }
0x19: {  	[sflag:s24] =	ssyncadd.s32 $0xFFFFE000  }
0x1a: {  	_ =	swait.ge [sflag:s26], $0x2000  }
0x1b: {  	[sflag:s26] =	ssyncset.done $0x0  }
0x1c: {  	[sflag:s26] =	ssyncadd.s32 $0xFFFFE000  }
0x1d: {  	_ =	swait.ge [sflag:s4], $0x2000  }
0x1e: {  	[sflag:s4] =	ssyncset.done $0x0  }
0x1f: {  	[sflag:s4] =	ssyncadd.s32 $0xFFFFE000  }
0x20: {  	_ =	swait.ge [sflag:s6], $0x2000  }
0x21: {  	[sflag:s6] =	ssyncset.done $0x0  }
0x22: {  	[sflag:s6] =	ssyncadd.s32 $0xFFFFE000  }
0x23: {  	_ =	swait.ge [sflag:s7], $0x2000  }
0x24: {  	[sflag:s7] =	ssyncset.done $0x0  }
0x25: {  	[sflag:s7] =	ssyncadd.s32 $0xFFFFE000  }
0x26: {  	_ =	swait.ge [sflag:s12], $0x2000  }
0x27: {  	[sflag:s12] =	ssyncset.done $0x0  }
0x28: {  	[sflag:s12] =	ssyncadd.s32 $0xFFFFE000  }
0x29: {  	_ =	swait.ge [sflag:s5], $0x2000  }
0x2a: {  	s9 =	rddreg [dreg:$0xb]  }
0x2b: {  	s8 =	rddreg [dreg:$0x6];
	s9 =	sadd.s32 $0x1, s9  }
0x2c: {  	p0 =	sne.s32 s9, s8  }
.Ltmp1:
0x2d: {  	_ = 	snop;
	(pc) =	sbr.rel @!p0 .LBB2_5-.Ltmp1, $3  }
0x2e: {  	_ =	sdelay $0x1  }
0x2f: {  	[sflag:s5] =	ssyncset.done $0x0  }
0x30: {  	[sflag:s5] =	ssyncadd.s32 $0xFFFFE000  }
.LBB2_1:
0x31: {  	[dreg:$0xb] =	wrdreg s9  }
0x32: {  	s8 =	rddreg [dreg:$0x5];
	s11 =	simm.s32 $0x11  }
0x33: {  	[tilespmem:s2], [sflag:$0x11] =	stream.linear.gather [hbm4b:s8+s2], $0x6400, $0x38;
	[tilespmem:$0x16400] =	vst v63  }
0x34: {  	_ =	swait.ge [sflag:s11], $0x6400  }
0x35: {  	[sflag:s11] =	ssyncset.done $0x0  }
0x36: {  	[sflag:s11] =	ssyncadd.s32 $0xFFFF9C00  }
0x37: {  	[tilespmem:s14], [sflag:$0x1] =	stream.indirect.gather [hbm4b:s3+s13], $0x40, s2, s13, $0xb8;
	[tilespmem:$0x16400] =	vst v63  }
0x38: {  	_ = 	snop  }
0x39: {  	[tilespmem:s15], [sflag:$0x2] =	stream.indirect.gather [hbm4b:s3+s13], $0x40, s13, s13, $0xb8;
	[tilespmem:$0x16400] =	vst v63  }
0x3a: {  	s9 =	simm.s32 $0x100  }
0x3b: {  	[tilespmem:s17], [sflag:$0x3] =	stream.indirect.gather [hbm4b:s3+s13], $0x40, s9, s13, $0xb8;
	[tilespmem:$0x16400] =	vst v63  }
0x3c: {  	s10 =	simm.s32 $0x180  }
0x3d: {  	[tilespmem:s19], [sflag:$0x4] =	stream.indirect.gather [hbm4b:s3+s13], $0x40, s10, s13, $0xb8;
	[tilespmem:$0x16400] =	vst v63  }
0x3e: {  	s11 =	simm.s32 $0x200  }
0x3f: {  	[tilespmem:s21], [sflag:$0x5] =	stream.indirect.gather [hbm4b:s3+s13], $0x40, s11, s13, $0xb8;
	[tilespmem:$0x16400] =	vst v63  }
0x40: {  	s9 =	simm.s32 $0x280  }
0x41: {  	[tilespmem:s23], [sflag:$0x6] =	stream.indirect.gather [hbm4b:s3+s13], $0x40, s9, s13, $0xb8;
	[tilespmem:$0x16400] =	vst v63  }
0x42: {  	s10 =	simm.s32 $0x300  }
0x43: {  	[tilespmem:s25], [sflag:$0x7] =	stream.indirect.gather [hbm4b:s3+s13], $0x40, s10, s13, $0xb8;
	[tilespmem:$0x16400] =	vst v63  }
0x44: {  	s8 =	rddreg [dreg:$0x3];
	s11 =	simm.s32 $0x380;
	s9 =	simm.s32 $0x0  }
0x45: {  	[tilespmem:s28], [sflag:$0x8] =	stream.indirect.gather [hbm4b:s3+s13], $0x40, s11, s13, $0xb8;
	[tilespmem:$0x16400] =	vst v63  }
.LBB2_2:
0x46: {  	_ =	swait.ge [sflag:s29], $0x2000  }
0x47: {  	[sflag:s29] =	ssyncset.done $0x0;
	s10 =	rddreg [dreg:$0xa]  }
0x48: {  	[sflag:s29] =	ssyncadd.s32 $0xFFFFE000;
	s10 =	sadd.s32 s8, s10  }
0x49: {  	[hbm4b:s10+s2] =	stream.linear.scatter [tilespmem:s14], [sflag:$0x9], $0x2000, $0x38;
	[tilespmem:$0x16400] =	vst v63  }
0x4a: {  	_ =	swait.ge [sflag:s30], $0x2000  }
0x4b: {  	s11 =	rddreg [dreg:$0x4]  }
0x4c: {  	[sflag:s30] =	ssyncset.done $0x0;
	s10 =	sadd.s32 s8, s11  }
0x4d: {  	[sflag:s30] =	ssyncadd.s32 $0xFFFFE000;
	s11 =	sadd.s32 $0x400, s10  }
0x4e: {  	[hbm4b:s11+s2] =	stream.linear.scatter [tilespmem:s15], [sflag:$0xA], $0x2000, $0x38;
	[tilespmem:$0x16400] =	vst v63  }
0x4f: {  	_ =	swait.ge [sflag:s31], $0x2000  }
0x50: {  	[sflag:s31] =	ssyncset.done $0x0;
	s11 =	rddreg [dreg:$0x9]  }
0x51: {  	[sflag:s31] =	ssyncadd.s32 $0xFFFFE000;
	s11 =	sadd.s32 s8, s11  }
0x52: {  	[hbm4b:s11+s2] =	stream.linear.scatter [tilespmem:s17], [sflag:$0xB], $0x2000, $0x38;
	[tilespmem:$0x16400] =	vst v63  }
0x53: {  	_ =	swait.ge [sflag:s0], $0x2000  }
0x54: {  	[sflag:s0] =	ssyncset.done $0x0  }
0x55: {  	s11 =	sadd.s32 $0xC00, s10;
	[sflag:s0] =	ssyncadd.s32 $0xFFFFE000  }
0x56: {  	[hbm4b:s11+s2] =	stream.linear.scatter [tilespmem:s19], [sflag:$0xC], $0x2000, $0x38;
	[tilespmem:$0x16400] =	vst v63  }
0x57: {  	_ =	swait.ge [sflag:s1], $0x2000  }
0x58: {  	[sflag:s1] =	ssyncset.done $0x0;
	s11 =	rddreg [dreg:$0x8]  }
0x59: {  	[sflag:s1] =	ssyncadd.s32 $0xFFFFE000;
	s11 =	sadd.s32 s8, s11  }
0x5a: {  	[hbm4b:s11+s2] =	stream.linear.scatter [tilespmem:s21], [sflag:$0xD], $0x2000, $0x38;
	[tilespmem:$0x16400] =	vst v63  }
0x5b: {  	_ =	swait.ge [sflag:s16], $0x2000  }
0x5c: {  	[sflag:s16] =	ssyncset.done $0x0  }
0x5d: {  	s11 =	sadd.s32 $0x1400, s10;
	[sflag:s16] =	ssyncadd.s32 $0xFFFFE000  }
0x5e: {  	[hbm4b:s11+s2] =	stream.linear.scatter [tilespmem:s23], [sflag:$0xE], $0x2000, $0x38;
	[tilespmem:$0x16400] =	vst v63  }
0x5f: {  	_ =	swait.ge [sflag:s18], $0x2000  }
0x60: {  	[sflag:s18] =	ssyncset.done $0x0;
	s11 =	rddreg [dreg:$0x7]  }
0x61: {  	[sflag:s18] =	ssyncadd.s32 $0xFFFFE000;
	s11 =	sadd.s32 s8, s11  }
0x62: {  	[hbm4b:s11+s2] =	stream.linear.scatter [tilespmem:s25], [sflag:$0xF], $0x2000, $0x38;
	[tilespmem:$0x16400] =	vst v63  }
0x63: {  	_ =	swait.ge [sflag:s20], $0x2000  }
0x64: {  	p0 =	seq.s32 s9, $0x18000;
	[sflag:s20] =	ssyncset.done $0x0  }
.Ltmp2:
0x65: {  	s10 =	sadd.s32 $0x1C00, s10;
	[sflag:s20] =	ssyncadd.s32 $0xFFFFE000;
	(pc) =	sbr.rel @p0 .LBB2_4-.Ltmp2, $4  }
0x66: {  	[hbm4b:s10+s2] =	stream.linear.scatter [tilespmem:s28], [sflag:$0x10], $0x2000, $0x38;
	[tilespmem:$0x16400] =	vst v63  }
0x67: {  	_ =	swait.ge [sflag:s22], $0x2000  }
0x68: {  	[sflag:s22] =	ssyncset.done $0x0  }
0x69: {  	[sflag:s22] =	ssyncadd.s32 $0xFFFFE000  }
0x6a: {  	s10 =	sshra.s32 s9, $0x2  }
0x6b: {  	s11 =	sadd.s32 $0x400, s10  }
0x6c: {  	[tilespmem:s14], [sflag:$0x1] =	stream.indirect.gather [hbm4b:s3+s13], $0x40, s11, s13, $0xb8;
	[tilespmem:$0x16400] =	vst v63  }
0x6d: {  	_ =	swait.ge [sflag:s24], $0x2000  }
0x6e: {  	[sflag:s24] =	ssyncset.done $0x0  }
0x6f: {  	s11 =	sadd.s32 $0x480, s10;
	[sflag:s24] =	ssyncadd.s32 $0xFFFFE000  }
0x70: {  	[tilespmem:s15], [sflag:$0x2] =	stream.indirect.gather [hbm4b:s3+s13], $0x40, s11, s13, $0xb8;
	[tilespmem:$0x16400] =	vst v63  }
0x71: {  	_ =	swait.ge [sflag:s26], $0x2000  }
0x72: {  	[sflag:s26] =	ssyncset.done $0x0  }
0x73: {  	s11 =	sadd.s32 $0x500, s10;
	[sflag:s26] =	ssyncadd.s32 $0xFFFFE000  }
0x74: {  	[tilespmem:s17], [sflag:$0x3] =	stream.indirect.gather [hbm4b:s3+s13], $0x40, s11, s13, $0xb8;
	[tilespmem:$0x16400] =	vst v63  }
0x75: {  	_ =	swait.ge [sflag:s4], $0x2000  }
0x76: {  	[sflag:s4] =	ssyncset.done $0x0  }
0x77: {  	s11 =	sadd.s32 $0x580, s10;
	[sflag:s4] =	ssyncadd.s32 $0xFFFFE000  }
0x78: {  	[tilespmem:s19], [sflag:$0x4] =	stream.indirect.gather [hbm4b:s3+s13], $0x40, s11, s13, $0xb8;
	[tilespmem:$0x16400] =	vst v63  }
0x79: {  	_ =	swait.ge [sflag:s6], $0x2000  }
0x7a: {  	[sflag:s6] =	ssyncset.done $0x0  }
0x7b: {  	s11 =	sadd.s32 $0x600, s10;
	[sflag:s6] =	ssyncadd.s32 $0xFFFFE000  }
0x7c: {  	[tilespmem:s21], [sflag:$0x5] =	stream.indirect.gather [hbm4b:s3+s13], $0x40, s11, s13, $0xb8;
	[tilespmem:$0x16400] =	vst v63  }
0x7d: {  	_ =	swait.ge [sflag:s7], $0x2000  }
0x7e: {  	[sflag:s7] =	ssyncset.done $0x0  }
0x7f: {  	s11 =	sadd.s32 $0x680, s10;
	[sflag:s7] =	ssyncadd.s32 $0xFFFFE000  }
0x80: {  	[tilespmem:s23], [sflag:$0x6] =	stream.indirect.gather [hbm4b:s3+s13], $0x40, s11, s13, $0xb8;
	[tilespmem:$0x16400] =	vst v63  }
0x81: {  	_ =	swait.ge [sflag:s12], $0x2000  }
0x82: {  	[sflag:s12] =	ssyncset.done $0x0  }
0x83: {  	s11 =	sadd.s32 $0x700, s10;
	[sflag:s12] =	ssyncadd.s32 $0xFFFFE000  }
0x84: {  	[tilespmem:s25], [sflag:$0x7] =	stream.indirect.gather [hbm4b:s3+s13], $0x40, s11, s13, $0xb8;
	[tilespmem:$0x16400] =	vst v63  }
.Ltmp3:
0x85: {  	_ = 	snop;
	(pc) =	sbr.rel .LBB2_2-.Ltmp3, $4  }
0x86: {  	_ =	swait.ge [sflag:s5], $0x2000  }
0x87: {  	s9 =	sadd.s32 $0x1000, s9;
	[sflag:s5] =	ssyncset.done $0x0  }
0x88: {  	s8 =	sadd.s32 $0x2000, s8;
	s10 =	sadd.s32 $0x780, s10;
	[sflag:s5] =	ssyncadd.s32 $0xFFFFE000  }
0x89: {  	[tilespmem:s28], [sflag:$0x8] =	stream.indirect.gather [hbm4b:s3+s13], $0x40, s10, s13, $0xb8;
	[tilespmem:$0x16400] =	vst v63  }
.LBB2_5:
0x8a: {  	_ =	sfence.sel $0x180000  }
0x8b: {  	[bflag:$0x0] =	sbarrier.arrive $0xFFFF  }
0x8c: {  	_ =	strace $0x90000047  }
0x8d: {  	s0 =	stileid.u32;
	[bflag:$0x2] =	sbarrier.arrive $0xFFFF  }
0x8e: {  	p0 =	sne.s32 s0, $0x0;
	s0 =	rddreg [dreg:$0x2]  }
0x8f: {  	s0 =	sadd.s32 @!p0 $0x100000, s0  }
0x90: {  	[sflag:s0] =	ssyncadd.tile.s32 @!p0 $0x1;
	_ =	shalt  }
.Lfunc_end2:
_tile_overlayer_lowered:
.L_overlay_start_2:
0x91: {  	(tag) =	ssettag $0x2  }
0x92: {  	s0 =	rddreg [dreg:$0x0];
	s2 =	stileid.u32  }
0x93: {  	s1 =	rddreg [dreg:$0x1];
	p0 =	sne.s32 s2, $0x0  }
0x94: {  	s3 =	rddreg [dreg:$0x2];
	[bflag:$0x3] =	sbarrier.arrive $0xFFFF;
	s2 =	simm.s32 @!p0 $0x1C11  }
0x95: {  	[timem:s3], [sflag:s2] =	dma.local @!p0 [hbm:s0], s1  }
0x96: {  	s0 =	simm.s32 @!p0 $0x11  }
0x97: {  	_ =	swait.ge @!p0 [sflag:s0], s1  }
0x98: {  	s1 =	ssub.s32 @!p0 $0x0, s1;
	[sflag:s0] =	ssyncset.done @!p0 $0x0  }
0x99: {  	[sflag:s0] =	ssyncadd.s32 @!p0 s1  }
0x9a: {  	[bflag:$0x3] =	sbarrier.arrive $0xFFFF  }
0x9b: {  	_ =	shalt  }

</sc_bundles>
